<compile_context>
chip_gen: v7x
topology: tpu7x:2x2x1
jax: 0.10.2.dev20260603
libtpu: 0.0.44.dev20260713+nightly
codegen_flags: <defaults>
</compile_context>

<pallas_src>
import functools

import jax
import jax.numpy as jnp
from jax import lax
from jax.experimental import pallas as pl
from jax.experimental.pallas import tpu as pltpu
from jax.experimental.pallas import tpu_sc as plsc

_N = 8192
_K = 20
_G = 8
_NEG = -3.4e38



def _knn_body(x_ref, xt_ref, bcol_ref, brow_ref, out_ref, d_s):
    xr = x_ref[...]
    xt = xt_ref[...]
    sqr = jnp.sum(xr * xr, axis=1, keepdims=True)
    sqc = jnp.sum(xt * xt, axis=0, keepdims=True)
    xy = lax.dot_general(xr, xt, (((1,), (0,)), ((), ())),
                         preferred_element_type=jnp.float32)
    d = sqr + sqc - 2.0 * xy
    bm = bcol_ref[:, 0:1] != brow_ref[...]
    d = jnp.where(bm, jnp.float32(1e10), d)
    d_s[...] = d

    r_dim, n = d.shape
    lane = lax.broadcasted_iota(jnp.int32, (r_dim, n), 1)
    col32 = lax.broadcasted_iota(jnp.int32, (r_dim, 32), 1)

    def body(r, acc):
        dcur = d_s[...]
        m = jnp.min(dcur, axis=1, keepdims=True)
        idx = jnp.min(jnp.where(dcur == m, lane, jnp.int32(2**30)),
                      axis=1, keepdims=True)
        d_s[...] = jnp.where(lane == idx, jnp.float32(3e38), dcur)
        return jnp.where(col32 == r, idx, acc)

    out_ref[...] = lax.fori_loop(0, _K, body,
                                 jnp.zeros((r_dim, 32), jnp.int32))


def _knn(x, xt, bcol, brow, rows=128):
    n, f = x.shape
    return pl.pallas_call(
        _knn_body,
        grid=(n // rows,),
        in_specs=[
            pl.BlockSpec((rows, f), lambda i: (i, 0)),
            pl.BlockSpec((f, n), lambda i: (0, 0)),
            pl.BlockSpec((rows, 128), lambda i: (i, 0)),
            pl.BlockSpec((1, n), lambda i: (0, 0)),
        ],
        out_specs=pl.BlockSpec((rows, 32), lambda i: (i, 0)),
        out_shape=jax.ShapeDtypeStruct((n, 32), jnp.int32),
        scratch_shapes=[pltpu.VMEM((rows, n), jnp.float32)],
    )(x, xt, bcol, brow)



def _sc_gather(table, idx3):
    v_dim, d_dim = table.shape
    nw, n_dma, _ = idx3.shape
    gsz = 4
    ngrp = n_dma // gsz
    mesh = plsc.VectorSubcoreMesh(core_axis_name="c", subcore_axis_name="s")

    @functools.partial(
        pl.kernel,
        mesh=mesh,
        out_type=jax.ShapeDtypeStruct((nw, n_dma, 128, d_dim), jnp.float32),
        scratch_types=[
            pltpu.VMEM((n_dma, 128), jnp.int32),
            pltpu.VMEM((gsz, 128, d_dim), jnp.float32),
            pltpu.SemaphoreType.DMA,
        ],
    )
    def gk(table_hbm, idx_hbm, out_hbm, idx_v, rows_v, sem):
        wid = lax.axis_index("s") * 2 + lax.axis_index("c")
        pltpu.sync_copy(idx_hbm.at[wid], idx_v)

        def grp(g, carry):
            handles = []
            for b in range(gsz):
                handles.append(pltpu.async_copy(
                    table_hbm.at[idx_v.at[g * gsz + b]], rows_v.at[b], sem))
            for h in handles:
                h.wait()
            pltpu.sync_copy(rows_v, out_hbm.at[wid, pl.ds(g * gsz, gsz)])
            return carry

        lax.fori_loop(0, ngrp, grp, 0)

    return gk(table, idx3)



def _lin_body(x_ref, w_ref, b_ref, out_ref):
    out_ref[...] = lax.dot_general(
        x_ref[...], w_ref[...], (((1,), (0,)), ((), ())),
        preferred_element_type=jnp.float32) + b_ref[...]


def _lin(x, w, b, rows=1024):
    n, f = x.shape
    dout = w.shape[1]
    return pl.pallas_call(
        _lin_body,
        grid=(n // rows,),
        in_specs=[
            pl.BlockSpec((rows, f), lambda i: (i, 0)),
            pl.BlockSpec((f, dout), lambda i: (0, 0)),
            pl.BlockSpec((1, dout), lambda i: (0, 0)),
        ],
        out_specs=pl.BlockSpec((rows, dout), lambda i: (i, 0)),
        out_shape=jax.ShapeDtypeStruct((n, dout), jnp.float32),
    )(x, w, b)


def _conv1_body(x_ref, g_ref, w1i_ref, b1a_ref, w1b_ref, b1b_ref, out_ref):
    dn = (((1,), (0,)), ((), ()))
    a = lax.dot_general(x_ref[...], w1i_ref[...], dn,
                        preferred_element_type=jnp.float32) + b1a_ref[...]
    acc = jnp.zeros(out_ref.shape, jnp.float32)
    for k in range(_K):
        h = jnp.maximum(a + g_ref[k][:, :64], 0.0)
        h2 = lax.dot_general(h, w1b_ref[...], dn,
                             preferred_element_type=jnp.float32) + b1b_ref[...]
        acc = jnp.maximum(acc, jnp.maximum(h2, 0.0))
    out_ref[...] = acc


def _conv1(x16, g3, w1i, b1a, w1b, b1b, rows=512):
    n = x16.shape[0]
    return pl.pallas_call(
        _conv1_body,
        grid=(n // rows,),
        in_specs=[
            pl.BlockSpec((rows, 16), lambda i: (i, 0)),
            pl.BlockSpec((_K, rows, 128), lambda i: (0, i, 0)),
            pl.BlockSpec((16, 64), lambda i: (0, 0)),
            pl.BlockSpec((1, 64), lambda i: (0, 0)),
            pl.BlockSpec((64, 64), lambda i: (0, 0)),
            pl.BlockSpec((1, 64), lambda i: (0, 0)),
        ],
        out_specs=pl.BlockSpec((rows, 64), lambda i: (i, 0)),
        out_shape=jax.ShapeDtypeStruct((n, 64), jnp.float32),
    )(x16, g3, w1i, b1a, w1b, b1b)


def _conv2_body(a_ref, g_ref, out_ref):
    a = a_ref[...]
    acc = jnp.zeros(out_ref.shape, jnp.float32)
    for k in range(_K):
        acc = jnp.maximum(acc, jnp.maximum(a + g_ref[k], 0.0))
    out_ref[...] = acc


def _conv2(a2, g3, rows=512):
    n = a2.shape[0]
    return pl.pallas_call(
        _conv2_body,
        grid=(n // rows,),
        in_specs=[
            pl.BlockSpec((rows, 128), lambda i: (i, 0)),
            pl.BlockSpec((_K, rows, 128), lambda i: (0, i, 0)),
        ],
        out_specs=pl.BlockSpec((rows, 128), lambda i: (i, 0)),
        out_shape=jax.ShapeDtypeStruct((n, 128), jnp.float32),
    )(a2, g3)



def _final_body(o1_ref, o2_ref, bcol_ref, w3a_ref, w3b_ref, b3_ref,
                w4at_ref, w4ab_ref, b4a_ref, w4b_ref, b4b_ref,
                w4c_ref, b4c_ref, out_ref, ssum, smax, scnt):
    dn = (((1,), (0,)), ((), ()))
    dnt = (((0,), (0,)), ((), ()))
    i = pl.program_id(0)

    @pl.when(i == 0)
    def _():
        ssum[...] = jnp.zeros_like(ssum)
        smax[...] = jnp.full_like(smax, _NEG)
        scnt[...] = jnp.zeros_like(scnt)

    y = lax.dot_general(o1_ref[...], w3a_ref[...], dn,
                        preferred_element_type=jnp.float32)
    y = y + lax.dot_general(o2_ref[...], w3b_ref[...], dn,
                            preferred_element_type=jnp.float32)
    y = jnp.maximum(y + b3_ref[...], 0.0)

    br = bcol_ref[:, 0:1]
    r_dim = y.shape[0]
    gio = lax.broadcasted_iota(jnp.int32, (r_dim, _G), 1)
    oh = (br == gio).astype(jnp.float32)
    ssum[...] = ssum[...] + lax.dot_general(
        oh, y, dnt, preferred_element_type=jnp.float32)
    ones = jnp.ones((r_dim, 128), jnp.float32)
    scnt[...] = scnt[...] + lax.dot_general(
        oh, ones, dnt, preferred_element_type=jnp.float32)
    for g in range(_G):
        mg = jnp.max(jnp.where(br == g, y, _NEG), axis=0, keepdims=True)
        smax[g:g + 1, :] = jnp.maximum(smax[g:g + 1, :], mg)

    @pl.when(i == pl.num_programs(0) - 1)
    def _():
        cnt = jnp.maximum(scnt[:, 0:1], 1.0)
        mean = ssum[...] / cnt
        h = lax.dot_general(mean, w4at_ref[...], dn,
                            preferred_element_type=jnp.float32)
        h = h + lax.dot_general(smax[...], w4ab_ref[...], dn,
                                preferred_element_type=jnp.float32)
        h = jnp.maximum(h + b4a_ref[...], 0.0)
        h = jnp.maximum(
            lax.dot_general(h, w4b_ref[...], dn,
                            preferred_element_type=jnp.float32)
            + b4b_ref[...], 0.0)
        out_ref[...] = lax.dot_general(
            h, w4c_ref[...], dn,
            preferred_element_type=jnp.float32) + b4c_ref[...]


def _final(o1, o2, bcol, w3a, w3b, b3, w4at, w4ab, b4a, w4b, b4b, w4c, b4c,
           rows=512):
    n = o1.shape[0]
    return pl.pallas_call(
        _final_body,
        grid=(n // rows,),
        in_specs=[
            pl.BlockSpec((rows, 64), lambda i: (i, 0)),
            pl.BlockSpec((rows, 128), lambda i: (i, 0)),
            pl.BlockSpec((rows, 128), lambda i: (i, 0)),
            pl.BlockSpec((64, 512), lambda i: (0, 0)),
            pl.BlockSpec((128, 512), lambda i: (0, 0)),
            pl.BlockSpec((1, 512), lambda i: (0, 0)),
            pl.BlockSpec((512, 512), lambda i: (0, 0)),
            pl.BlockSpec((512, 512), lambda i: (0, 0)),
            pl.BlockSpec((1, 512), lambda i: (0, 0)),
            pl.BlockSpec((512, 256), lambda i: (0, 0)),
            pl.BlockSpec((1, 256), lambda i: (0, 0)),
            pl.BlockSpec((256, 10), lambda i: (0, 0)),
            pl.BlockSpec((1, 10), lambda i: (0, 0)),
        ],
        out_specs=pl.BlockSpec((_G, 10), lambda i: (0, 0)),
        out_shape=jax.ShapeDtypeStruct((_G, 10), jnp.float32),
        scratch_shapes=[
            pltpu.VMEM((_G, 512), jnp.float32),
            pltpu.VMEM((_G, 512), jnp.float32),
            pltpu.VMEM((_G, 128), jnp.float32),
        ],
    )(o1, o2, bcol, w3a, w3b, b3, w4at, w4ab, b4a, w4b, b4b, w4c, b4c)



def kernel(pos, batch, W1a, b1a, W1b, b1b, W2, b2, W3, b3, W4a, b4a,
           W4b, b4b, W4c, b4c):
    posp = jnp.pad(pos, ((0, 0), (0, 13)))
    bcol = jnp.broadcast_to(batch[:, None], (_N, 128))
    brow = batch.reshape(1, _N)

    idx1 = _knn(posp, posp.T, bcol, brow)[:, :_K]
    w1i = jnp.pad(W1a[:3] - W1a[3:], ((0, 13), (0, 0)))
    w1j128 = jnp.pad(W1a[3:], ((0, 13), (0, 64)))
    c1 = _lin(posp, w1j128, jnp.zeros((1, 128), jnp.float32))
    g1 = _sc_gather(c1, idx1.T.reshape(32, -1, 128))
    g1 = g1.reshape(_K, _N, 128)
    out1 = _conv1(posp, g1, w1i, b1a.reshape(1, -1), W1b,
                  b1b.reshape(1, -1))

    idx2 = _knn(out1, out1.T, bcol, brow)[:, :_K]
    a2 = _lin(out1, W2[:64] - W2[64:], b2.reshape(1, -1))
    c2 = _lin(out1, W2[64:], jnp.zeros((1, 128), jnp.float32))
    g2 = _sc_gather(c2, idx2.T.reshape(32, -1, 128))
    g2 = g2.reshape(_K, _N, 128)
    out2 = _conv2(a2, g2)

    return _final(out1, out2, bcol, W3[:64], W3[64:], b3.reshape(1, -1),
                  W4a[:512], W4a[512:], b4a.reshape(1, -1),
                  W4b, b4b.reshape(1, -1), W4c, b4c.reshape(1, -1))

# --- scband reference (transcript-rebuilt; emitter-appended) ---
"""Pipeline reference for scband-net-56092272885928 (READ-ONLY COPY).

The authoritative reference and input builder live on the scoring server;
editing this copy changes nothing except your own understanding.
"""

import jax, jax.numpy as jnp
import numpy as np

N = 8192
K = 20
NUM_GRAPHS = 8

def _glorot(key, shape):
    fan_in = shape[0]
    return (jax.random.normal(key, shape, dtype=jnp.float32) / np.sqrt(fan_in)).astype(jnp.float32)

def setup_inputs(seed: int = 0):
    key = jax.random.key(seed)
    ks = jax.random.split(key, 20)
    inp = {}
    inp["pos"] = jax.random.normal(ks[0], (N, 3), dtype=jnp.float32)
    inp["batch"] = jnp.sort(jax.random.randint(ks[1], (N,), 0, NUM_GRAPHS, dtype=jnp.int32))
    inp["W1a"] = _glorot(ks[2], (6, 64));    inp["b1a"] = jnp.zeros((64,), jnp.float32)
    inp["W1b"] = _glorot(ks[3], (64, 64));   inp["b1b"] = jnp.zeros((64,), jnp.float32)
    inp["W2"]  = _glorot(ks[4], (128, 128)); inp["b2"]  = jnp.zeros((128,), jnp.float32)
    inp["W3"]  = _glorot(ks[5], (192, 512)); inp["b3"]  = jnp.zeros((512,), jnp.float32)
    inp["W4a"] = _glorot(ks[6], (1024, 512)); inp["b4a"] = jnp.zeros((512,), jnp.float32)
    inp["W4b"] = _glorot(ks[7], (512, 256));  inp["b4b"] = jnp.zeros((256,), jnp.float32)
    inp["W4c"] = _glorot(ks[8], (256, 10));   inp["b4c"] = jnp.zeros((10,), jnp.float32)
    return inp

def _knn_idx(x, batch, k):
    # kNN in feature space, restricted to points within the same graph (batch id)
    sq = jnp.sum(x * x, axis=1)
    d = sq[:, None] + sq[None, :] - 2.0 * (x @ x.T)
    d = jnp.where(batch[:, None] != batch[None, :], jnp.float32(1e10), d)
    return jax.lax.stop_gradient(jax.lax.top_k(-d, k)[1])

def _edge_conv(x, idx, layers):
    # DynamicEdgeConv: edge feature [x_i, x_j - x_i] -> MLP -> max over neighbors
    n, k = idx.shape
    xi = jnp.broadcast_to(x[:, None, :], (n, k, x.shape[1]))
    xj = jnp.take(x, idx, axis=0)
    h = jnp.concatenate([xi, xj - xi], axis=-1)
    for (W, b) in layers:
        h = jax.nn.relu(h @ W + b)
    return jnp.max(h, axis=1)

def reference(pos, batch, W1a, b1a, W1b, b1b, W2, b2, W3, b3, W4a, b4a, W4b, b4b, W4c, b4c):
    out1 = _edge_conv(pos, _knn_idx(pos, batch, K), [(W1a, b1a), (W1b, b1b)])
    out2 = _edge_conv(out1, _knn_idx(out1, batch, K), [(W2, b2)])
    x = jnp.concatenate([out1, out2], axis=1)
    x = jax.nn.relu(x @ W3 + b3)
    cnt = jax.ops.segment_sum(jnp.ones((x.shape[0],), jnp.float32), batch, num_segments=NUM_GRAPHS)
    mean = jax.ops.segment_sum(x, batch, num_segments=NUM_GRAPHS) / jnp.maximum(cnt, 1.0)[:, None]
    mx = jax.ops.segment_max(x, batch, num_segments=NUM_GRAPHS)
    g = jnp.concatenate([mean, mx], axis=1)
    h = jax.nn.relu(g @ W4a + b4a)
    h = jax.nn.relu(h @ W4b + b4b)
    return h @ W4c + b4c

if __name__ == "__main__":
    import jax
    _d = setup_inputs()
    print(jax.jit(kernel)(*tuple(_d.values())))

</pallas_src>

<mosaic_0001>
#map = affine_map<(d0, d1) -> (0, 0)>
#map1 = affine_map<(d0, d1) -> (0, 0, 0)>
#map2 = affine_map<(d0, d1) -> (0, 0, 0, 0)>
module attributes {stable_mosaic.version = 14 : i64} {
  func.func @gk(%arg0: i32, %arg1: i32, %arg2: memref<8192x128xf32, #tpu.memory_space<hbm>>, %arg3: memref<32x40x128xi32, #tpu.memory_space<hbm>>, %arg4: memref<32x40x128x128xf32, #tpu.memory_space<hbm>>, %arg5: memref<40x128xi32, #tpu.memory_space<vmem>>, %arg6: memref<4x128x128xf32, #tpu.memory_space<vmem>>, %arg7: memref<!tpu.dma_semaphore, #tpu.memory_space<semaphore_mem>>) attributes {dimension_semantics = [#tpu.dimension_semantics<core_parallel>, #tpu.dimension_semantics<subcore_parallel>], iteration_bounds = array<i64: 2, 16>, scalar_prefetch = 0 : i64, scratch_operands = 3 : i64, tpu.core_type = #tpu.core_type<sc_vector_subcore>, window_params = [{transform_indices = #map}, {transform_indices = #map1}, {transform_indices = #map2}]} {
    %mul3A = arith.constant 2 : i32
    %mul3A_0 = arith.muli %arg1, %mul3A : i32
    %add3A = arith.addi %mul3A_0, %arg0 : i32
    "tpu.region"() ({
      %run_scoped3A = tpu.sem_alloc : memref<!tpu.dma_semaphore, #tpu.memory_space<semaphore_mem>>
      %dma_start3A = arith.constant 0 : i32
      %dma_start3A_6 = arith.constant 0 : i32
      %dma_start3A_7 = tpu.memref_slice %arg3[%add3A, %dma_start3A, %dma_start3A_6] : memref<32x40x128xi32, #tpu.memory_space<hbm>> -> memref<1x40x128xi32, #tpu.memory_space<hbm>>
      %dma_start3A_8 = tpu.memref_squeeze %dma_start3A_7 : memref<1x40x128xi32, #tpu.memory_space<hbm>> -> memref<40x128xi32, #tpu.memory_space<hbm>>
      %dma_start3A_9 = arith.constant 0 : i32
      %dma_start3A_10 = arith.constant 0 : i32
      %dma_start3A_11 = tpu.memref_slice %arg3[%add3A, %dma_start3A_9, %dma_start3A_10] : memref<32x40x128xi32, #tpu.memory_space<hbm>> -> memref<1x40x128xi32, #tpu.memory_space<hbm>>
      %dma_start3A_12 = tpu.memref_squeeze %dma_start3A_11 : memref<1x40x128xi32, #tpu.memory_space<hbm>> -> memref<40x128xi32, #tpu.memory_space<hbm>>
      tpu.enqueue_dma source(%dma_start3A_12 : memref<40x128xi32, #tpu.memory_space<hbm>>) target(%arg5 : memref<40x128xi32, #tpu.memory_space<vmem>>) target_semaphore(%run_scoped3A : memref<!tpu.dma_semaphore, #tpu.memory_space<semaphore_mem>>)
      %dma_wait3A = arith.constant 0 : i32
      %dma_wait3A_13 = arith.constant 0 : i32
      %dma_wait3A_14 = tpu.memref_slice %arg3[%add3A, %dma_wait3A, %dma_wait3A_13] : memref<32x40x128xi32, #tpu.memory_space<hbm>> -> memref<1x40x128xi32, #tpu.memory_space<hbm>>
      %dma_wait3A_15 = tpu.memref_squeeze %dma_wait3A_14 : memref<1x40x128xi32, #tpu.memory_space<hbm>> -> memref<40x128xi32, #tpu.memory_space<hbm>>
      %dma_wait3A_16 = arith.constant 0 : i32
      %dma_wait3A_17 = arith.constant 0 : i32
      %dma_wait3A_18 = tpu.memref_slice %arg3[%add3A, %dma_wait3A_16, %dma_wait3A_17] : memref<32x40x128xi32, #tpu.memory_space<hbm>> -> memref<1x40x128xi32, #tpu.memory_space<hbm>>
      %dma_wait3A_19 = tpu.memref_squeeze %dma_wait3A_18 : memref<1x40x128xi32, #tpu.memory_space<hbm>> -> memref<40x128xi32, #tpu.memory_space<hbm>>
      tpu.wait_dma2 semaphore(%run_scoped3A : memref<!tpu.dma_semaphore, #tpu.memory_space<semaphore_mem>>) src(%dma_wait3A_19 : memref<40x128xi32, #tpu.memory_space<hbm>>) dst(%arg5 : memref<40x128xi32, #tpu.memory_space<vmem>>)
      tpu.yield
    }) : () -> ()
    %scan3A = arith.constant 0 : i32
    %scan3A_1 = arith.constant 0 : i32
    %scan3A_2 = arith.constant 10 : i32
    %scan3A_3 = arith.addi %scan3A_1, %scan3A_2 : i32
    %scan3A_4 = arith.constant 1 : i32
    scf.for %scan3A_6 = %scan3A_1 to %scan3A_3 step %scan3A_4  : i32 {
      %mul3A_7 = arith.constant 4 : i32
      %mul3A_8 = arith.muli %scan3A_6, %mul3A_7 : i32
      %add3A_9 = arith.constant 0 : i32
      %add3A_10 = arith.addi %mul3A_8, %add3A_9 : i32
      %dma_start3A = arith.constant 0 : i32
      %dma_start3A_11 = arith.constant 0 : i32
      %dma_start3A_12 = arith.constant 0 : i32
      %dma_start3A_13 = tpu.memref_slice %arg6[%dma_start3A, %dma_start3A_11, %dma_start3A_12] : memref<4x128x128xf32, #tpu.memory_space<vmem>> -> memref<1x128x128xf32, #tpu.memory_space<vmem>>
      %dma_start3A_14 = tpu.memref_squeeze %dma_start3A_13 : memref<1x128x128xf32, #tpu.memory_space<vmem>> -> memref<128x128xf32, #tpu.memory_space<vmem>>
      %dma_start3A_15 = arith.constant 0 : i32
      %dma_start3A_16 = tpu.memref_slice %arg5[%add3A_10, %dma_start3A_15] : memref<40x128xi32, #tpu.memory_space<vmem>> -> memref<1x128xi32, #tpu.memory_space<vmem>>
      %dma_start3A_17 = tpu.memref_squeeze %dma_start3A_16 : memref<1x128xi32, #tpu.memory_space<vmem>> -> memref<128xi32, #tpu.memory_space<vmem>>
      %dma_start3A_18 = arith.constant 0 : i32
      %dma_start3A_19 = arith.constant 0 : i32
      %dma_start3A_20 = tpu.memref_slice %arg2[%dma_start3A_18, %dma_start3A_19] : memref<8192x128xf32, #tpu.memory_space<hbm>> -> memref<8192x128xf32, #tpu.memory_space<hbm>>
      tpu.enqueue_indirect_dma source(%dma_start3A_20 : memref<8192x128xf32, #tpu.memory_space<hbm>>) target(%dma_start3A_14 : memref<128x128xf32, #tpu.memory_space<vmem>>) offsets(%dma_start3A_17 : memref<128xi32, #tpu.memory_space<vmem>>) semaphore(%arg7 : memref<!tpu.dma_semaphore, #tpu.memory_space<semaphore_mem>>)
      %mul3A_21 = arith.constant 4 : i32
      %mul3A_22 = arith.muli %scan3A_6, %mul3A_21 : i32
      %add3A_23 = arith.constant 1 : i32
      %add3A_24 = arith.addi %mul3A_22, %add3A_23 : i32
      %dma_start3A_25 = arith.constant 1 : i32
      %dma_start3A_26 = arith.constant 0 : i32
      %dma_start3A_27 = arith.constant 0 : i32
      %dma_start3A_28 = tpu.memref_slice %arg6[%dma_start3A_25, %dma_start3A_26, %dma_start3A_27] : memref<4x128x128xf32, #tpu.memory_space<vmem>> -> memref<1x128x128xf32, #tpu.memory_space<vmem>>
      %dma_start3A_29 = tpu.memref_squeeze %dma_start3A_28 : memref<1x128x128xf32, #tpu.memory_space<vmem>> -> memref<128x128xf32, #tpu.memory_space<vmem>>
      %dma_start3A_30 = arith.constant 0 : i32
      %dma_start3A_31 = tpu.memref_slice %arg5[%add3A_24, %dma_start3A_30] : memref<40x128xi32, #tpu.memory_space<vmem>> -> memref<1x128xi32, #tpu.memory_space<vmem>>
      %dma_start3A_32 = tpu.memref_squeeze %dma_start3A_31 : memref<1x128xi32, #tpu.memory_space<vmem>> -> memref<128xi32, #tpu.memory_space<vmem>>
      %dma_start3A_33 = arith.constant 0 : i32
      %dma_start3A_34 = arith.constant 0 : i32
      %dma_start3A_35 = tpu.memref_slice %arg2[%dma_start3A_33, %dma_start3A_34] : memref<8192x128xf32, #tpu.memory_space<hbm>> -> memref<8192x128xf32, #tpu.memory_space<hbm>>
      tpu.enqueue_indirect_dma source(%dma_start3A_35 : memref<8192x128xf32, #tpu.memory_space<hbm>>) target(%dma_start3A_29 : memref<128x128xf32, #tpu.memory_space<vmem>>) offsets(%dma_start3A_32 : memref<128xi32, #tpu.memory_space<vmem>>) semaphore(%arg7 : memref<!tpu.dma_semaphore, #tpu.memory_space<semaphore_mem>>)
      %mul3A_36 = arith.constant 4 : i32
      %mul3A_37 = arith.muli %scan3A_6, %mul3A_36 : i32
      %add3A_38 = arith.constant 2 : i32
      %add3A_39 = arith.addi %mul3A_37, %add3A_38 : i32
      %dma_start3A_40 = arith.constant 2 : i32
      %dma_start3A_41 = arith.constant 0 : i32
      %dma_start3A_42 = arith.constant 0 : i32
      %dma_start3A_43 = tpu.memref_slice %arg6[%dma_start3A_40, %dma_start3A_41, %dma_start3A_42] : memref<4x128x128xf32, #tpu.memory_space<vmem>> -> memref<1x128x128xf32, #tpu.memory_space<vmem>>
      %dma_start3A_44 = tpu.memref_squeeze %dma_start3A_43 : memref<1x128x128xf32, #tpu.memory_space<vmem>> -> memref<128x128xf32, #tpu.memory_space<vmem>>
      %dma_start3A_45 = arith.constant 0 : i32
      %dma_start3A_46 = tpu.memref_slice %arg5[%add3A_39, %dma_start3A_45] : memref<40x128xi32, #tpu.memory_space<vmem>> -> memref<1x128xi32, #tpu.memory_space<vmem>>
      %dma_start3A_47 = tpu.memref_squeeze %dma_start3A_46 : memref<1x128xi32, #tpu.memory_space<vmem>> -> memref<128xi32, #tpu.memory_space<vmem>>
      %dma_start3A_48 = arith.constant 0 : i32
      %dma_start3A_49 = arith.constant 0 : i32
      %dma_start3A_50 = tpu.memref_slice %arg2[%dma_start3A_48, %dma_start3A_49] : memref<8192x128xf32, #tpu.memory_space<hbm>> -> memref<8192x128xf32, #tpu.memory_space<hbm>>
      tpu.enqueue_indirect_dma source(%dma_start3A_50 : memref<8192x128xf32, #tpu.memory_space<hbm>>) target(%dma_start3A_44 : memref<128x128xf32, #tpu.memory_space<vmem>>) offsets(%dma_start3A_47 : memref<128xi32, #tpu.memory_space<vmem>>) semaphore(%arg7 : memref<!tpu.dma_semaphore, #tpu.memory_space<semaphore_mem>>)
      %mul3A_51 = arith.constant 4 : i32
      %mul3A_52 = arith.muli %scan3A_6, %mul3A_51 : i32
      %add3A_53 = arith.constant 3 : i32
      %add3A_54 = arith.addi %mul3A_52, %add3A_53 : i32
      %dma_start3A_55 = arith.constant 3 : i32
      %dma_start3A_56 = arith.constant 0 : i32
      %dma_start3A_57 = arith.constant 0 : i32
      %dma_start3A_58 = tpu.memref_slice %arg6[%dma_start3A_55, %dma_start3A_56, %dma_start3A_57] : memref<4x128x128xf32, #tpu.memory_space<vmem>> -> memref<1x128x128xf32, #tpu.memory_space<vmem>>
      %dma_start3A_59 = tpu.memref_squeeze %dma_start3A_58 : memref<1x128x128xf32, #tpu.memory_space<vmem>> -> memref<128x128xf32, #tpu.memory_space<vmem>>
      %dma_start3A_60 = arith.constant 0 : i32
      %dma_start3A_61 = tpu.memref_slice %arg5[%add3A_54, %dma_start3A_60] : memref<40x128xi32, #tpu.memory_space<vmem>> -> memref<1x128xi32, #tpu.memory_space<vmem>>
      %dma_start3A_62 = tpu.memref_squeeze %dma_start3A_61 : memref<1x128xi32, #tpu.memory_space<vmem>> -> memref<128xi32, #tpu.memory_space<vmem>>
      %dma_start3A_63 = arith.constant 0 : i32
      %dma_start3A_64 = arith.constant 0 : i32
      %dma_start3A_65 = tpu.memref_slice %arg2[%dma_start3A_63, %dma_start3A_64] : memref<8192x128xf32, #tpu.memory_space<hbm>> -> memref<8192x128xf32, #tpu.memory_space<hbm>>
      tpu.enqueue_indirect_dma source(%dma_start3A_65 : memref<8192x128xf32, #tpu.memory_space<hbm>>) target(%dma_start3A_59 : memref<128x128xf32, #tpu.memory_space<vmem>>) offsets(%dma_start3A_62 : memref<128xi32, #tpu.memory_space<vmem>>) semaphore(%arg7 : memref<!tpu.dma_semaphore, #tpu.memory_space<semaphore_mem>>)
      %dma_wait3A = arith.constant 0 : i32
      %dma_wait3A_66 = arith.constant 0 : i32
      %dma_wait3A_67 = arith.constant 0 : i32
      %dma_wait3A_68 = tpu.memref_slice %arg6[%dma_wait3A, %dma_wait3A_66, %dma_wait3A_67] : memref<4x128x128xf32, #tpu.memory_space<vmem>> -> memref<1x128x128xf32, #tpu.memory_space<vmem>>
      %dma_wait3A_69 = tpu.memref_squeeze %dma_wait3A_68 : memref<1x128x128xf32, #tpu.memory_space<vmem>> -> memref<128x128xf32, #tpu.memory_space<vmem>>
      %dma_wait3A_70 = arith.constant 0 : i32
      %dma_wait3A_71 = tpu.memref_slice %arg5[%add3A_10, %dma_wait3A_70] : memref<40x128xi32, #tpu.memory_space<vmem>> -> memref<1x128xi32, #tpu.memory_space<vmem>>
      %dma_wait3A_72 = tpu.memref_squeeze %dma_wait3A_71 : memref<1x128xi32, #tpu.memory_space<vmem>> -> memref<128xi32, #tpu.memory_space<vmem>>
      %dma_wait3A_73 = arith.constant 0 : i32
      %dma_wait3A_74 = arith.constant 0 : i32
      %dma_wait3A_75 = tpu.memref_slice %arg2[%dma_wait3A_73, %dma_wait3A_74] : memref<8192x128xf32, #tpu.memory_space<hbm>> -> memref<8192x128xf32, #tpu.memory_space<hbm>>
      tpu.wait_indirect_dma semaphore(%arg7 : memref<!tpu.dma_semaphore, #tpu.memory_space<semaphore_mem>>) src(%dma_wait3A_75 : memref<8192x128xf32, #tpu.memory_space<hbm>>) dst(%dma_wait3A_69 : memref<128x128xf32, #tpu.memory_space<vmem>>)
      %dma_wait3A_76 = arith.constant 1 : i32
      %dma_wait3A_77 = arith.constant 0 : i32
      %dma_wait3A_78 = arith.constant 0 : i32
      %dma_wait3A_79 = tpu.memref_slice %arg6[%dma_wait3A_76, %dma_wait3A_77, %dma_wait3A_78] : memref<4x128x128xf32, #tpu.memory_space<vmem>> -> memref<1x128x128xf32, #tpu.memory_space<vmem>>
      %dma_wait3A_80 = tpu.memref_squeeze %dma_wait3A_79 : memref<1x128x128xf32, #tpu.memory_space<vmem>> -> memref<128x128xf32, #tpu.memory_space<vmem>>
      %dma_wait3A_81 = arith.constant 0 : i32
      %dma_wait3A_82 = tpu.memref_slice %arg5[%add3A_24, %dma_wait3A_81] : memref<40x128xi32, #tpu.memory_space<vmem>> -> memref<1x128xi32, #tpu.memory_space<vmem>>
      %dma_wait3A_83 = tpu.memref_squeeze %dma_wait3A_82 : memref<1x128xi32, #tpu.memory_space<vmem>> -> memref<128xi32, #tpu.memory_space<vmem>>
      %dma_wait3A_84 = arith.constant 0 : i32
      %dma_wait3A_85 = arith.constant 0 : i32
      %dma_wait3A_86 = tpu.memref_slice %arg2[%dma_wait3A_84, %dma_wait3A_85] : memref<8192x128xf32, #tpu.memory_space<hbm>> -> memref<8192x128xf32, #tpu.memory_space<hbm>>
      tpu.wait_indirect_dma semaphore(%arg7 : memref<!tpu.dma_semaphore, #tpu.memory_space<semaphore_mem>>) src(%dma_wait3A_86 : memref<8192x128xf32, #tpu.memory_space<hbm>>) dst(%dma_wait3A_80 : memref<128x128xf32, #tpu.memory_space<vmem>>)
      %dma_wait3A_87 = arith.constant 2 : i32
      %dma_wait3A_88 = arith.constant 0 : i32
      %dma_wait3A_89 = arith.constant 0 : i32
      %dma_wait3A_90 = tpu.memref_slice %arg6[%dma_wait3A_87, %dma_wait3A_88, %dma_wait3A_89] : memref<4x128x128xf32, #tpu.memory_space<vmem>> -> memref<1x128x128xf32, #tpu.memory_space<vmem>>
      %dma_wait3A_91 = tpu.memref_squeeze %dma_wait3A_90 : memref<1x128x128xf32, #tpu.memory_space<vmem>> -> memref<128x128xf32, #tpu.memory_space<vmem>>
      %dma_wait3A_92 = arith.constant 0 : i32
      %dma_wait3A_93 = tpu.memref_slice %arg5[%add3A_39, %dma_wait3A_92] : memref<40x128xi32, #tpu.memory_space<vmem>> -> memref<1x128xi32, #tpu.memory_space<vmem>>
      %dma_wait3A_94 = tpu.memref_squeeze %dma_wait3A_93 : memref<1x128xi32, #tpu.memory_space<vmem>> -> memref<128xi32, #tpu.memory_space<vmem>>
      %dma_wait3A_95 = arith.constant 0 : i32
      %dma_wait3A_96 = arith.constant 0 : i32
      %dma_wait3A_97 = tpu.memref_slice %arg2[%dma_wait3A_95, %dma_wait3A_96] : memref<8192x128xf32, #tpu.memory_space<hbm>> -> memref<8192x128xf32, #tpu.memory_space<hbm>>
      tpu.wait_indirect_dma semaphore(%arg7 : memref<!tpu.dma_semaphore, #tpu.memory_space<semaphore_mem>>) src(%dma_wait3A_97 : memref<8192x128xf32, #tpu.memory_space<hbm>>) dst(%dma_wait3A_91 : memref<128x128xf32, #tpu.memory_space<vmem>>)
      %dma_wait3A_98 = arith.constant 3 : i32
      %dma_wait3A_99 = arith.constant 0 : i32
      %dma_wait3A_100 = arith.constant 0 : i32
      %dma_wait3A_101 = tpu.memref_slice %arg6[%dma_wait3A_98, %dma_wait3A_99, %dma_wait3A_100] : memref<4x128x128xf32, #tpu.memory_space<vmem>> -> memref<1x128x128xf32, #tpu.memory_space<vmem>>
      %dma_wait3A_102 = tpu.memref_squeeze %dma_wait3A_101 : memref<1x128x128xf32, #tpu.memory_space<vmem>> -> memref<128x128xf32, #tpu.memory_space<vmem>>
      %dma_wait3A_103 = arith.constant 0 : i32
      %dma_wait3A_104 = tpu.memref_slice %arg5[%add3A_54, %dma_wait3A_103] : memref<40x128xi32, #tpu.memory_space<vmem>> -> memref<1x128xi32, #tpu.memory_space<vmem>>
      %dma_wait3A_105 = tpu.memref_squeeze %dma_wait3A_104 : memref<1x128xi32, #tpu.memory_space<vmem>> -> memref<128xi32, #tpu.memory_space<vmem>>
      %dma_wait3A_106 = arith.constant 0 : i32
      %dma_wait3A_107 = arith.constant 0 : i32
      %dma_wait3A_108 = tpu.memref_slice %arg2[%dma_wait3A_106, %dma_wait3A_107] : memref<8192x128xf32, #tpu.memory_space<hbm>> -> memref<8192x128xf32, #tpu.memory_space<hbm>>
      tpu.wait_indirect_dma semaphore(%arg7 : memref<!tpu.dma_semaphore, #tpu.memory_space<semaphore_mem>>) src(%dma_wait3A_108 : memref<8192x128xf32, #tpu.memory_space<hbm>>) dst(%dma_wait3A_102 : memref<128x128xf32, #tpu.memory_space<vmem>>)
      %mul3A_109 = arith.constant 4 : i32
      %mul3A_110 = arith.muli %scan3A_6, %mul3A_109 : i32
      "tpu.region"() ({
        %run_scoped3A = tpu.sem_alloc : memref<!tpu.dma_semaphore, #tpu.memory_space<semaphore_mem>>
        %dma_start3A_111 = arith.constant 0 : i32
        %dma_start3A_112 = arith.constant 0 : i32
        %dma_start3A_113 = tpu.memref_slice %arg4[%add3A, %mul3A_110, %dma_start3A_111, %dma_start3A_112] : memref<32x40x128x128xf32, #tpu.memory_space<hbm>> -> memref<1x4x128x128xf32, #tpu.memory_space<hbm>>
        %dma_start3A_114 = tpu.memref_squeeze %dma_start3A_113 : memref<1x4x128x128xf32, #tpu.memory_space<hbm>> -> memref<4x128x128xf32, #tpu.memory_space<hbm>>
        %dma_start3A_115 = arith.constant 0 : i32
        %dma_start3A_116 = arith.constant 0 : i32
        %dma_start3A_117 = tpu.memref_slice %arg4[%add3A, %mul3A_110, %dma_start3A_115, %dma_start3A_116] : memref<32x40x128x128xf32, #tpu.memory_space<hbm>> -> memref<1x4x128x128xf32, #tpu.memory_space<hbm>>
        %dma_start3A_118 = tpu.memref_squeeze %dma_start3A_117 : memref<1x4x128x128xf32, #tpu.memory_space<hbm>> -> memref<4x128x128xf32, #tpu.memory_space<hbm>>
        tpu.enqueue_dma source(%arg6 : memref<4x128x128xf32, #tpu.memory_space<vmem>>) target(%dma_start3A_118 : memref<4x128x128xf32, #tpu.memory_space<hbm>>) target_semaphore(%run_scoped3A : memref<!tpu.dma_semaphore, #tpu.memory_space<semaphore_mem>>)
        %dma_wait3A_119 = arith.constant 0 : i32
        %dma_wait3A_120 = arith.constant 0 : i32
        %dma_wait3A_121 = tpu.memref_slice %arg4[%add3A, %mul3A_110, %dma_wait3A_119, %dma_wait3A_120] : memref<32x40x128x128xf32, #tpu.memory_space<hbm>> -> memref<1x4x128x128xf32, #tpu.memory_space<hbm>>
        %dma_wait3A_122 = tpu.memref_squeeze %dma_wait3A_121 : memref<1x4x128x128xf32, #tpu.memory_space<hbm>> -> memref<4x128x128xf32, #tpu.memory_space<hbm>>
        %dma_wait3A_123 = arith.constant 0 : i32
        %dma_wait3A_124 = arith.constant 0 : i32
        %dma_wait3A_125 = tpu.memref_slice %arg4[%add3A, %mul3A_110, %dma_wait3A_123, %dma_wait3A_124] : memref<32x40x128x128xf32, #tpu.memory_space<hbm>> -> memref<1x4x128x128xf32, #tpu.memory_space<hbm>>
        %dma_wait3A_126 = tpu.memref_squeeze %dma_wait3A_125 : memref<1x4x128x128xf32, #tpu.memory_space<hbm>> -> memref<4x128x128xf32, #tpu.memory_space<hbm>>
        tpu.wait_dma2 semaphore(%run_scoped3A : memref<!tpu.dma_semaphore, #tpu.memory_space<semaphore_mem>>) src(%arg6 : memref<4x128x128xf32, #tpu.memory_space<vmem>>) dst(%dma_wait3A_126 : memref<4x128x128xf32, #tpu.memory_space<hbm>>)
        tpu.yield
      }) : () -> ()
    }
    %scan3A_5 = arith.constant 10 : i32
    return
  }
}

#map = affine_map<(d0, d1) -> (0, 0)>
#map1 = affine_map<(d0, d1) -> (0, 0, 0)>
#map2 = affine_map<(d0, d1) -> (0, 0, 0, 0)>
module attributes {stable_mosaic.version = 14 : i64} {
  func.func @gk(%arg0: i32, %arg1: i32, %arg2: memref<8192x128xf32, #tpu.memory_space<hbm>>, %arg3: memref<32x40x128xi32, #tpu.memory_space<hbm>>, %arg4: memref<32x40x128x128xf32, #tpu.memory_space<hbm>>, %arg5: memref<40x128xi32, #tpu.memory_space<vmem>>, %arg6: memref<4x128x128xf32, #tpu.memory_space<vmem>>, %arg7: memref<!tpu.dma_semaphore, #tpu.memory_space<semaphore_mem>>) attributes {dimension_semantics = [#tpu.dimension_semantics<core_parallel>, #tpu.dimension_semantics<subcore_parallel>], iteration_bounds = array<i64: 2, 16>, scalar_prefetch = 0 : i64, scratch_operands = 3 : i64, tpu.core_type = #tpu.core_type<sc_vector_subcore>, window_params = [{transform_indices = #map}, {transform_indices = #map1}, {transform_indices = #map2}]} {
    %mul3A = arith.constant 2 : i32
    %mul3A_0 = arith.muli %arg1, %mul3A : i32
    %add3A = arith.addi %mul3A_0, %arg0 : i32
    "tpu.region"() ({
      %run_scoped3A = tpu.sem_alloc : memref<!tpu.dma_semaphore, #tpu.memory_space<semaphore_mem>>
      %dma_start3A = arith.constant 0 : i32
      %dma_start3A_6 = arith.constant 0 : i32
      %dma_start3A_7 = tpu.memref_slice %arg3[%add3A, %dma_start3A, %dma_start3A_6] : memref<32x40x128xi32, #tpu.memory_space<hbm>> -> memref<1x40x128xi32, #tpu.memory_space<hbm>>
      %dma_start3A_8 = tpu.memref_squeeze %dma_start3A_7 : memref<1x40x128xi32, #tpu.memory_space<hbm>> -> memref<40x128xi32, #tpu.memory_space<hbm>>
      %dma_start3A_9 = arith.constant 0 : i32
      %dma_start3A_10 = arith.constant 0 : i32
      %dma_start3A_11 = tpu.memref_slice %arg3[%add3A, %dma_start3A_9, %dma_start3A_10] : memref<32x40x128xi32, #tpu.memory_space<hbm>> -> memref<1x40x128xi32, #tpu.memory_space<hbm>>
      %dma_start3A_12 = tpu.memref_squeeze %dma_start3A_11 : memref<1x40x128xi32, #tpu.memory_space<hbm>> -> memref<40x128xi32, #tpu.memory_space<hbm>>
      tpu.enqueue_dma source(%dma_start3A_12 : memref<40x128xi32, #tpu.memory_space<hbm>>) target(%arg5 : memref<40x128xi32, #tpu.memory_space<vmem>>) target_semaphore(%run_scoped3A : memref<!tpu.dma_semaphore, #tpu.memory_space<semaphore_mem>>)
      %dma_wait3A = arith.constant 0 : i32
      %dma_wait3A_13 = arith.constant 0 : i32
      %dma_wait3A_14 = tpu.memref_slice %arg3[%add3A, %dma_wait3A, %dma_wait3A_13] : memref<32x40x128xi32, #tpu.memory_space<hbm>> -> memref<1x40x128xi32, #tpu.memory_space<hbm>>
      %dma_wait3A_15 = tpu.memref_squeeze %dma_wait3A_14 : memref<1x40x128xi32, #tpu.memory_space<hbm>> -> memref<40x128xi32, #tpu.memory_space<hbm>>
      %dma_wait3A_16 = arith.constant 0 : i32
      %dma_wait3A_17 = arith.constant 0 : i32
      %dma_wait3A_18 = tpu.memref_slice %arg3[%add3A, %dma_wait3A_16, %dma_wait3A_17] : memref<32x40x128xi32, #tpu.memory_space<hbm>> -> memref<1x40x128xi32, #tpu.memory_space<hbm>>
      %dma_wait3A_19 = tpu.memref_squeeze %dma_wait3A_18 : memref<1x40x128xi32, #tpu.memory_space<hbm>> -> memref<40x128xi32, #tpu.memory_space<hbm>>
      tpu.wait_dma2 semaphore(%run_scoped3A : memref<!tpu.dma_semaphore, #tpu.memory_space<semaphore_mem>>) src(%dma_wait3A_19 : memref<40x128xi32, #tpu.memory_space<hbm>>) dst(%arg5 : memref<40x128xi32, #tpu.memory_space<vmem>>)
      tpu.yield
    }) : () -> ()
    %scan3A = arith.constant 0 : i32
    %scan3A_1 = arith.constant 0 : i32
    %scan3A_2 = arith.constant 10 : i32
    %scan3A_3 = arith.addi %scan3A_1, %scan3A_2 : i32
    %scan3A_4 = arith.constant 1 : i32
    scf.for %scan3A_6 = %scan3A_1 to %scan3A_3 step %scan3A_4  : i32 {
      %mul3A_7 = arith.constant 4 : i32
      %mul3A_8 = arith.muli %scan3A_6, %mul3A_7 : i32
      %add3A_9 = arith.constant 0 : i32
      %add3A_10 = arith.addi %mul3A_8, %add3A_9 : i32
      %dma_start3A = arith.constant 0 : i32
      %dma_start3A_11 = arith.constant 0 : i32
      %dma_start3A_12 = arith.constant 0 : i32
      %dma_start3A_13 = tpu.memref_slice %arg6[%dma_start3A, %dma_start3A_11, %dma_start3A_12] : memref<4x128x128xf32, #tpu.memory_space<vmem>> -> memref<1x128x128xf32, #tpu.memory_space<vmem>>
      %dma_start3A_14 = tpu.memref_squeeze %dma_start3A_13 : memref<1x128x128xf32, #tpu.memory_space<vmem>> -> memref<128x128xf32, #tpu.memory_space<vmem>>
      %dma_start3A_15 = arith.constant 0 : i32
      %dma_start3A_16 = tpu.memref_slice %arg5[%add3A_10, %dma_start3A_15] : memref<40x128xi32, #tpu.memory_space<vmem>> -> memref<1x128xi32, #tpu.memory_space<vmem>>
      %dma_start3A_17 = tpu.memref_squeeze %dma_start3A_16 : memref<1x128xi32, #tpu.memory_space<vmem>> -> memref<128xi32, #tpu.memory_space<vmem>>
      %dma_start3A_18 = arith.constant 0 : i32
      %dma_start3A_19 = arith.constant 0 : i32
      %dma_start3A_20 = tpu.memref_slice %arg2[%dma_start3A_18, %dma_start3A_19] : memref<8192x128xf32, #tpu.memory_space<hbm>> -> memref<8192x128xf32, #tpu.memory_space<hbm>>
      tpu.enqueue_indirect_dma source(%dma_start3A_20 : memref<8192x128xf32, #tpu.memory_space<hbm>>) target(%dma_start3A_14 : memref<128x128xf32, #tpu.memory_space<vmem>>) offsets(%dma_start3A_17 : memref<128xi32, #tpu.memory_space<vmem>>) semaphore(%arg7 : memref<!tpu.dma_semaphore, #tpu.memory_space<semaphore_mem>>)
      %mul3A_21 = arith.constant 4 : i32
      %mul3A_22 = arith.muli %scan3A_6, %mul3A_21 : i32
      %add3A_23 = arith.constant 1 : i32
      %add3A_24 = arith.addi %mul3A_22, %add3A_23 : i32
      %dma_start3A_25 = arith.constant 1 : i32
      %dma_start3A_26 = arith.constant 0 : i32
      %dma_start3A_27 = arith.constant 0 : i32
      %dma_start3A_28 = tpu.memref_slice %arg6[%dma_start3A_25, %dma_start3A_26, %dma_start3A_27] : memref<4x128x128xf32, #tpu.memory_space<vmem>> -> memref<1x128x128xf32, #tpu.memory_space<vmem>>
      %dma_start3A_29 = tpu.memref_squeeze %dma_start3A_28 : memref<1x128x128xf32, #tpu.memory_space<vmem>> -> memref<128x128xf32, #tpu.memory_space<vmem>>
      %dma_start3A_30 = arith.constant 0 : i32
      %dma_start3A_31 = tpu.memref_slice %arg5[%add3A_24, %dma_start3A_30] : memref<40x128xi32, #tpu.memory_space<vmem>> -> memref<1x128xi32, #tpu.memory_space<vmem>>
      %dma_start3A_32 = tpu.memref_squeeze %dma_start3A_31 : memref<1x128xi32, #tpu.memory_space<vmem>> -> memref<128xi32, #tpu.memory_space<vmem>>
      %dma_start3A_33 = arith.constant 0 : i32
      %dma_start3A_34 = arith.constant 0 : i32
      %dma_start3A_35 = tpu.memref_slice %arg2[%dma_start3A_33, %dma_start3A_34] : memref<8192x128xf32, #tpu.memory_space<hbm>> -> memref<8192x128xf32, #tpu.memory_space<hbm>>
      tpu.enqueue_indirect_dma source(%dma_start3A_35 : memref<8192x128xf32, #tpu.memory_space<hbm>>) target(%dma_start3A_29 : memref<128x128xf32, #tpu.memory_space<vmem>>) offsets(%dma_start3A_32 : memref<128xi32, #tpu.memory_space<vmem>>) semaphore(%arg7 : memref<!tpu.dma_semaphore, #tpu.memory_space<semaphore_mem>>)
      %mul3A_36 = arith.constant 4 : i32
      %mul3A_37 = arith.muli %scan3A_6, %mul3A_36 : i32
      %add3A_38 = arith.constant 2 : i32
      %add3A_39 = arith.addi %mul3A_37, %add3A_38 : i32
      %dma_start3A_40 = arith.constant 2 : i32
      %dma_start3A_41 = arith.constant 0 : i32
      %dma_start3A_42 = arith.constant 0 : i32
      %dma_start3A_43 = tpu.memref_slice %arg6[%dma_start3A_40, %dma_start3A_41, %dma_start3A_42] : memref<4x128x128xf32, #tpu.memory_space<vmem>> -> memref<1x128x128xf32, #tpu.memory_space<vmem>>
      %dma_start3A_44 = tpu.memref_squeeze %dma_start3A_43 : memref<1x128x128xf32, #tpu.memory_space<vmem>> -> memref<128x128xf32, #tpu.memory_space<vmem>>
      %dma_start3A_45 = arith.constant 0 : i32
      %dma_start3A_46 = tpu.memref_slice %arg5[%add3A_39, %dma_start3A_45] : memref<40x128xi32, #tpu.memory_space<vmem>> -> memref<1x128xi32, #tpu.memory_space<vmem>>
      %dma_start3A_47 = tpu.memref_squeeze %dma_start3A_46 : memref<1x128xi32, #tpu.memory_space<vmem>> -> memref<128xi32, #tpu.memory_space<vmem>>
      %dma_start3A_48 = arith.constant 0 : i32
      %dma_start3A_49 = arith.constant 0 : i32
      %dma_start3A_50 = tpu.memref_slice %arg2[%dma_start3A_48, %dma_start3A_49] : memref<8192x128xf32, #tpu.memory_space<hbm>> -> memref<8192x128xf32, #tpu.memory_space<hbm>>
      tpu.enqueue_indirect_dma source(%dma_start3A_50 : memref<8192x128xf32, #tpu.memory_space<hbm>>) target(%dma_start3A_44 : memref<128x128xf32, #tpu.memory_space<vmem>>) offsets(%dma_start3A_47 : memref<128xi32, #tpu.memory_space<vmem>>) semaphore(%arg7 : memref<!tpu.dma_semaphore, #tpu.memory_space<semaphore_mem>>)
      %mul3A_51 = arith.constant 4 : i32
      %mul3A_52 = arith.muli %scan3A_6, %mul3A_51 : i32
      %add3A_53 = arith.constant 3 : i32
      %add3A_54 = arith.addi %mul3A_52, %add3A_53 : i32
      %dma_start3A_55 = arith.constant 3 : i32
      %dma_start3A_56 = arith.constant 0 : i32
      %dma_start3A_57 = arith.constant 0 : i32
      %dma_start3A_58 = tpu.memref_slice %arg6[%dma_start3A_55, %dma_start3A_56, %dma_start3A_57] : memref<4x128x128xf32, #tpu.memory_space<vmem>> -> memref<1x128x128xf32, #tpu.memory_space<vmem>>
      %dma_start3A_59 = tpu.memref_squeeze %dma_start3A_58 : memref<1x128x128xf32, #tpu.memory_space<vmem>> -> memref<128x128xf32, #tpu.memory_space<vmem>>
      %dma_start3A_60 = arith.constant 0 : i32
      %dma_start3A_61 = tpu.memref_slice %arg5[%add3A_54, %dma_start3A_60] : memref<40x128xi32, #tpu.memory_space<vmem>> -> memref<1x128xi32, #tpu.memory_space<vmem>>
      %dma_start3A_62 = tpu.memref_squeeze %dma_start3A_61 : memref<1x128xi32, #tpu.memory_space<vmem>> -> memref<128xi32, #tpu.memory_space<vmem>>
      %dma_start3A_63 = arith.constant 0 : i32
      %dma_start3A_64 = arith.constant 0 : i32
      %dma_start3A_65 = tpu.memref_slice %arg2[%dma_start3A_63, %dma_start3A_64] : memref<8192x128xf32, #tpu.memory_space<hbm>> -> memref<8192x128xf32, #tpu.memory_space<hbm>>
      tpu.enqueue_indirect_dma source(%dma_start3A_65 : memref<8192x128xf32, #tpu.memory_space<hbm>>) target(%dma_start3A_59 : memref<128x128xf32, #tpu.memory_space<vmem>>) offsets(%dma_start3A_62 : memref<128xi32, #tpu.memory_space<vmem>>) semaphore(%arg7 : memref<!tpu.dma_semaphore, #tpu.memory_space<semaphore_mem>>)
      %dma_wait3A = arith.constant 0 : i32
      %dma_wait3A_66 = arith.constant 0 : i32
      %dma_wait3A_67 = arith.constant 0 : i32
      %dma_wait3A_68 = tpu.memref_slice %arg6[%dma_wait3A, %dma_wait3A_66, %dma_wait3A_67] : memref<4x128x128xf32, #tpu.memory_space<vmem>> -> memref<1x128x128xf32, #tpu.memory_space<vmem>>
      %dma_wait3A_69 = tpu.memref_squeeze %dma_wait3A_68 : memref<1x128x128xf32, #tpu.memory_space<vmem>> -> memref<128x128xf32, #tpu.memory_space<vmem>>
      %dma_wait3A_70 = arith.constant 0 : i32
      %dma_wait3A_71 = tpu.memref_slice %arg5[%add3A_10, %dma_wait3A_70] : memref<40x128xi32, #tpu.memory_space<vmem>> -> memref<1x128xi32, #tpu.memory_space<vmem>>
      %dma_wait3A_72 = tpu.memref_squeeze %dma_wait3A_71 : memref<1x128xi32, #tpu.memory_space<vmem>> -> memref<128xi32, #tpu.memory_space<vmem>>
      %dma_wait3A_73 = arith.constant 0 : i32
      %dma_wait3A_74 = arith.constant 0 : i32
      %dma_wait3A_75 = tpu.memref_slice %arg2[%dma_wait3A_73, %dma_wait3A_74] : memref<8192x128xf32, #tpu.memory_space<hbm>> -> memref<8192x128xf32, #tpu.memory_space<hbm>>
      tpu.wait_indirect_dma semaphore(%arg7 : memref<!tpu.dma_semaphore, #tpu.memory_space<semaphore_mem>>) src(%dma_wait3A_75 : memref<8192x128xf32, #tpu.memory_space<hbm>>) dst(%dma_wait3A_69 : memref<128x128xf32, #tpu.memory_space<vmem>>)
      %dma_wait3A_76 = arith.constant 1 : i32
      %dma_wait3A_77 = arith.constant 0 : i32
      %dma_wait3A_78 = arith.constant 0 : i32
      %dma_wait3A_79 = tpu.memref_slice %arg6[%dma_wait3A_76, %dma_wait3A_77, %dma_wait3A_78] : memref<4x128x128xf32, #tpu.memory_space<vmem>> -> memref<1x128x128xf32, #tpu.memory_space<vmem>>
      %dma_wait3A_80 = tpu.memref_squeeze %dma_wait3A_79 : memref<1x128x128xf32, #tpu.memory_space<vmem>> -> memref<128x128xf32, #tpu.memory_space<vmem>>
      %dma_wait3A_81 = arith.constant 0 : i32
      %dma_wait3A_82 = tpu.memref_slice %arg5[%add3A_24, %dma_wait3A_81] : memref<40x128xi32, #tpu.memory_space<vmem>> -> memref<1x128xi32, #tpu.memory_space<vmem>>
      %dma_wait3A_83 = tpu.memref_squeeze %dma_wait3A_82 : memref<1x128xi32, #tpu.memory_space<vmem>> -> memref<128xi32, #tpu.memory_space<vmem>>
      %dma_wait3A_84 = arith.constant 0 : i32
      %dma_wait3A_85 = arith.constant 0 : i32
      %dma_wait3A_86 = tpu.memref_slice %arg2[%dma_wait3A_84, %dma_wait3A_85] : memref<8192x128xf32, #tpu.memory_space<hbm>> -> memref<8192x128xf32, #tpu.memory_space<hbm>>
      tpu.wait_indirect_dma semaphore(%arg7 : memref<!tpu.dma_semaphore, #tpu.memory_space<semaphore_mem>>) src(%dma_wait3A_86 : memref<8192x128xf32, #tpu.memory_space<hbm>>) dst(%dma_wait3A_80 : memref<128x128xf32, #tpu.memory_space<vmem>>)
      %dma_wait3A_87 = arith.constant 2 : i32
      %dma_wait3A_88 = arith.constant 0 : i32
      %dma_wait3A_89 = arith.constant 0 : i32
      %dma_wait3A_90 = tpu.memref_slice %arg6[%dma_wait3A_87, %dma_wait3A_88, %dma_wait3A_89] : memref<4x128x128xf32, #tpu.memory_space<vmem>> -> memref<1x128x128xf32, #tpu.memory_space<vmem>>
      %dma_wait3A_91 = tpu.memref_squeeze %dma_wait3A_90 : memref<1x128x128xf32, #tpu.memory_space<vmem>> -> memref<128x128xf32, #tpu.memory_space<vmem>>
      %dma_wait3A_92 = arith.constant 0 : i32
      %dma_wait3A_93 = tpu.memref_slice %arg5[%add3A_39, %dma_wait3A_92] : memref<40x128xi32, #tpu.memory_space<vmem>> -> memref<1x128xi32, #tpu.memory_space<vmem>>
      %dma_wait3A_94 = tpu.memref_squeeze %dma_wait3A_93 : memref<1x128xi32, #tpu.memory_space<vmem>> -> memref<128xi32, #tpu.memory_space<vmem>>
      %dma_wait3A_95 = arith.constant 0 : i32
      %dma_wait3A_96 = arith.constant 0 : i32
      %dma_wait3A_97 = tpu.memref_slice %arg2[%dma_wait3A_95, %dma_wait3A_96] : memref<8192x128xf32, #tpu.memory_space<hbm>> -> memref<8192x128xf32, #tpu.memory_space<hbm>>
      tpu.wait_indirect_dma semaphore(%arg7 : memref<!tpu.dma_semaphore, #tpu.memory_space<semaphore_mem>>) src(%dma_wait3A_97 : memref<8192x128xf32, #tpu.memory_space<hbm>>) dst(%dma_wait3A_91 : memref<128x128xf32, #tpu.memory_space<vmem>>)
      %dma_wait3A_98 = arith.constant 3 : i32
      %dma_wait3A_99 = arith.constant 0 : i32
      %dma_wait3A_100 = arith.constant 0 : i32
      %dma_wait3A_101 = tpu.memref_slice %arg6[%dma_wait3A_98, %dma_wait3A_99, %dma_wait3A_100] : memref<4x128x128xf32, #tpu.memory_space<vmem>> -> memref<1x128x128xf32, #tpu.memory_space<vmem>>
      %dma_wait3A_102 = tpu.memref_squeeze %dma_wait3A_101 : memref<1x128x128xf32, #tpu.memory_space<vmem>> -> memref<128x128xf32, #tpu.memory_space<vmem>>
      %dma_wait3A_103 = arith.constant 0 : i32
      %dma_wait3A_104 = tpu.memref_slice %arg5[%add3A_54, %dma_wait3A_103] : memref<40x128xi32, #tpu.memory_space<vmem>> -> memref<1x128xi32, #tpu.memory_space<vmem>>
      %dma_wait3A_105 = tpu.memref_squeeze %dma_wait3A_104 : memref<1x128xi32, #tpu.memory_space<vmem>> -> memref<128xi32, #tpu.memory_space<vmem>>
      %dma_wait3A_106 = arith.constant 0 : i32
      %dma_wait3A_107 = arith.constant 0 : i32
      %dma_wait3A_108 = tpu.memref_slice %arg2[%dma_wait3A_106, %dma_wait3A_107] : memref<8192x128xf32, #tpu.memory_space<hbm>> -> memref<8192x128xf32, #tpu.memory_space<hbm>>
      tpu.wait_indirect_dma semaphore(%arg7 : memref<!tpu.dma_semaphore, #tpu.memory_space<semaphore_mem>>) src(%dma_wait3A_108 : memref<8192x128xf32, #tpu.memory_space<hbm>>) dst(%dma_wait3A_102 : memref<128x128xf32, #tpu.memory_space<vmem>>)
      %mul3A_109 = arith.constant 4 : i32
      %mul3A_110 = arith.muli %scan3A_6, %mul3A_109 : i32
      "tpu.region"() ({
        %run_scoped3A = tpu.sem_alloc : memref<!tpu.dma_semaphore, #tpu.memory_space<semaphore_mem>>
        %dma_start3A_111 = arith.constant 0 : i32
        %dma_start3A_112 = arith.constant 0 : i32
        %dma_start3A_113 = tpu.memref_slice %arg4[%add3A, %mul3A_110, %dma_start3A_111, %dma_start3A_112] : memref<32x40x128x128xf32, #tpu.memory_space<hbm>> -> memref<1x4x128x128xf32, #tpu.memory_space<hbm>>
        %dma_start3A_114 = tpu.memref_squeeze %dma_start3A_113 : memref<1x4x128x128xf32, #tpu.memory_space<hbm>> -> memref<4x128x128xf32, #tpu.memory_space<hbm>>
        %dma_start3A_115 = arith.constant 0 : i32
        %dma_start3A_116 = arith.constant 0 : i32
        %dma_start3A_117 = tpu.memref_slice %arg4[%add3A, %mul3A_110, %dma_start3A_115, %dma_start3A_116] : memref<32x40x128x128xf32, #tpu.memory_space<hbm>> -> memref<1x4x128x128xf32, #tpu.memory_space<hbm>>
        %dma_start3A_118 = tpu.memref_squeeze %dma_start3A_117 : memref<1x4x128x128xf32, #tpu.memory_space<hbm>> -> memref<4x128x128xf32, #tpu.memory_space<hbm>>
        tpu.enqueue_dma source(%arg6 : memref<4x128x128xf32, #tpu.memory_space<vmem>>) target(%dma_start3A_118 : memref<4x128x128xf32, #tpu.memory_space<hbm>>) target_semaphore(%run_scoped3A : memref<!tpu.dma_semaphore, #tpu.memory_space<semaphore_mem>>)
        %dma_wait3A_119 = arith.constant 0 : i32
        %dma_wait3A_120 = arith.constant 0 : i32
        %dma_wait3A_121 = tpu.memref_slice %arg4[%add3A, %mul3A_110, %dma_wait3A_119, %dma_wait3A_120] : memref<32x40x128x128xf32, #tpu.memory_space<hbm>> -> memref<1x4x128x128xf32, #tpu.memory_space<hbm>>
        %dma_wait3A_122 = tpu.memref_squeeze %dma_wait3A_121 : memref<1x4x128x128xf32, #tpu.memory_space<hbm>> -> memref<4x128x128xf32, #tpu.memory_space<hbm>>
        %dma_wait3A_123 = arith.constant 0 : i32
        %dma_wait3A_124 = arith.constant 0 : i32
        %dma_wait3A_125 = tpu.memref_slice %arg4[%add3A, %mul3A_110, %dma_wait3A_123, %dma_wait3A_124] : memref<32x40x128x128xf32, #tpu.memory_space<hbm>> -> memref<1x4x128x128xf32, #tpu.memory_space<hbm>>
        %dma_wait3A_126 = tpu.memref_squeeze %dma_wait3A_125 : memref<1x4x128x128xf32, #tpu.memory_space<hbm>> -> memref<4x128x128xf32, #tpu.memory_space<hbm>>
        tpu.wait_dma2 semaphore(%run_scoped3A : memref<!tpu.dma_semaphore, #tpu.memory_space<semaphore_mem>>) src(%arg6 : memref<4x128x128xf32, #tpu.memory_space<vmem>>) dst(%dma_wait3A_126 : memref<4x128x128xf32, #tpu.memory_space<hbm>>)
        tpu.yield
      }) : () -> ()
    }
    %scan3A_5 = arith.constant 10 : i32
    return
  }
}

module attributes {stable_mosaic.version = 14 : i64} {
  func.func @_knn_body(%arg0: i32, %arg1: memref<128x16xf32, #tpu.memory_space<vmem>>, %arg2: memref<16x8192xf32, #tpu.memory_space<vmem>>, %arg3: memref<128x128xi32, #tpu.memory_space<vmem>>, %arg4: memref<1x8192xi32, #tpu.memory_space<vmem>>, %arg5: memref<128x32xi32, #tpu.memory_space<vmem>>, %arg6: memref<128x8192xf32, #tpu.memory_space<vmem>>) attributes {dimension_semantics = [#tpu.dimension_semantics<arbitrary>], iteration_bounds = array<i64: 64>, scalar_prefetch = 0 : i64, scratch_operands = 1 : i64, tpu.core_type = #tpu.core_type<tc>, window_params = [{transform_indices = @transform_0, window_bounds = array<i64: 128, 16>}, {pipeline_mode = #tpu.pipeline_mode<synchronous>, transform_indices = @transform_1, window_bounds = array<i64: 16, 8192>}, {transform_indices = @transform_2, window_bounds = array<i64: 128, 128>}, {pipeline_mode = #tpu.pipeline_mode<synchronous>, transform_indices = @transform_3, window_bounds = array<i64: 1, 8192>}, {transform_indices = @transform_4, window_bounds = array<i64: 128, 32>}]} {
    %get3A = arith.constant 0 : index
    %get3A_0 = arith.constant 0 : index
    %get3A_1 = vector.load %arg1[%get3A, %get3A_0] : memref<128x16xf32, #tpu.memory_space<vmem>>, vector<128x16xf32>
    %get3A_2 = arith.constant 0 : index
    %get3A_3 = arith.constant 0 : index
    %get3A_4 = vector.load %arg2[%get3A_2, %get3A_3] : memref<16x8192xf32, #tpu.memory_space<vmem>>, vector<16x8192xf32>
    %mul3A = arith.mulf %get3A_1, %get3A_1 : vector<128x16xf32>
    %reduce_sum3A = arith.constant dense<0.000000e+00> : vector<128xf32>
    %reduce_sum3A_5 = vector.multi_reduction <add>, %mul3A, %reduce_sum3A [1] : vector<128x16xf32> to vector<128xf32>
    %broadcast_in_dim3A = vector.shape_cast %reduce_sum3A_5 : vector<128xf32> to vector<128x1xf32>
    %mul3A_6 = arith.mulf %get3A_4, %get3A_4 : vector<16x8192xf32>
    %reduce_sum3A_7 = arith.constant dense<0.000000e+00> : vector<8192xf32>
    %reduce_sum3A_8 = vector.multi_reduction <add>, %mul3A_6, %reduce_sum3A_7 [0] : vector<16x8192xf32> to vector<8192xf32>
    %broadcast_in_dim3A_9 = vector.shape_cast %reduce_sum3A_8 : vector<8192xf32> to vector<1x8192xf32>
    %dot_general3A = arith.constant dense<0.000000e+00> : vector<128x8192xf32>
    %dot_general3A_10 = tpu.matmul %get3A_1, %get3A_4, %dot_general3A {dimension_numbers = #tpu.dot_dimension_numbers<[1], [0], [0], [1], [0, 0, 1, 1], [], []>, transpose_lhs_hint = false} : vector<128x16xf32>, vector<16x8192xf32>, vector<128x8192xf32> -> vector<128x8192xf32>
    %add3A = vector.broadcast %broadcast_in_dim3A : vector<128x1xf32> to vector<128x8192xf32>
    %add3A_11 = vector.broadcast %broadcast_in_dim3A_9 : vector<1x8192xf32> to vector<128x8192xf32>
    %add3A_12 = arith.addf %add3A, %add3A_11 : vector<128x8192xf32>
    %mul3A_13 = arith.constant 2.000000e+00 : f32
    %mul3A_14 = vector.broadcast %mul3A_13 : f32 to vector<128x8192xf32>
    %mul3A_15 = arith.mulf %mul3A_14, %dot_general3A_10 : vector<128x8192xf32>
    %sub3A = arith.subf %add3A_12, %mul3A_15 : vector<128x8192xf32>
    %get3A_16 = arith.constant 0 : index
    %get3A_17 = arith.constant 0 : index
    %get3A_18 = vector.load %arg3[%get3A_16, %get3A_17] : memref<128x128xi32, #tpu.memory_space<vmem>>, vector<128x1xi32>
    %get3A_19 = arith.constant 0 : index
    %get3A_20 = arith.constant 0 : index
    %get3A_21 = vector.load %arg4[%get3A_19, %get3A_20] : memref<1x8192xi32, #tpu.memory_space<vmem>>, vector<1x8192xi32>
    %ne3A = vector.broadcast %get3A_18 : vector<128x1xi32> to vector<128x8192xi32>
    %ne3A_22 = vector.broadcast %get3A_21 : vector<1x8192xi32> to vector<128x8192xi32>
    %ne3A_23 = arith.cmpi ne, %ne3A, %ne3A_22 : vector<128x8192xi32>
    %jit3A = arith.constant 1.000000e+10 : f32
    %broadcast_in_dim3A_24 = vector.broadcast %jit3A : f32 to vector<128x8192xf32>
    %select_n3A = arith.select %ne3A_23, %broadcast_in_dim3A_24, %sub3A : vector<128x8192xi1>, vector<128x8192xf32>
    %swap3A = arith.constant 0 : index
    %swap3A_25 = arith.constant 0 : index
    %swap3A_26 = vector.load %arg6[%swap3A, %swap3A_25] : memref<128x8192xf32, #tpu.memory_space<vmem>>, vector<128x8192xf32>
    tpu.vector_store %arg6[%swap3A, %swap3A_25], %select_n3A {strides = array<i32>} : memref<128x8192xf32, #tpu.memory_space<vmem>>, vector<128x8192xf32>,
    %iota3A = tpu.iota {dimensions = array<i32: 1>} : vector<128x8192xi32>
    %iota3A_27 = tpu.iota {dimensions = array<i32: 1>} : vector<128x32xi32>
    %broadcast_in_dim3A_28 = arith.constant 0 : i32
    %broadcast_in_dim3A_29 = vector.broadcast %broadcast_in_dim3A_28 : i32 to vector<128x32xi32>
    %scan3A = arith.constant 0 : i32
    %scan3A_30 = arith.constant 20 : i32
    %scan3A_31 = arith.addi %scan3A, %scan3A_30 : i32
    %scan3A_32 = arith.constant 1 : i32
    %scan3A_33 = scf.for %scan3A_38 = %scan3A to %scan3A_31 step %scan3A_32 iter_args(%scan3A_39 = %broadcast_in_dim3A_29) -> (vector<128x32xi32>)  : i32 {
      %get3A_40 = arith.constant 0 : index
      %get3A_41 = arith.constant 0 : index
      %get3A_42 = vector.load %arg6[%get3A_40, %get3A_41] : memref<128x8192xf32, #tpu.memory_space<vmem>>, vector<128x8192xf32>
      %reduce_min3A = arith.constant dense<0x7F800000> : vector<128xf32>
      %reduce_min3A_43 = vector.multi_reduction <minimumf>, %get3A_42, %reduce_min3A [1] : vector<128x8192xf32> to vector<128xf32>
      %broadcast_in_dim3A_44 = vector.shape_cast %reduce_min3A_43 : vector<128xf32> to vector<128x1xf32>
      %eq3A = vector.broadcast %broadcast_in_dim3A_44 : vector<128x1xf32> to vector<128x8192xf32>
      %eq3A_45 = arith.cmpf oeq, %get3A_42, %eq3A : vector<128x8192xf32>
      %jit3A_46 = arith.constant 1073741824 : i32
      %broadcast_in_dim3A_47 = vector.broadcast %jit3A_46 : i32 to vector<128x8192xi32>
      %select_n3A_48 = arith.select %eq3A_45, %iota3A, %broadcast_in_dim3A_47 : vector<128x8192xi1>, vector<128x8192xi32>
      %reduce_min3A_49 = arith.constant dense<2147483647> : vector<128xi32>
      %reduce_min3A_50 = vector.multi_reduction <minsi>, %select_n3A_48, %reduce_min3A_49 [1] : vector<128x8192xi32> to vector<128xi32>
      %broadcast_in_dim3A_51 = vector.shape_cast %reduce_min3A_50 : vector<128xi32> to vector<128x1xi32>
      %eq3A_52 = vector.broadcast %broadcast_in_dim3A_51 : vector<128x1xi32> to vector<128x8192xi32>
      %eq3A_53 = arith.cmpi eq, %iota3A, %eq3A_52 : vector<128x8192xi32>
      %jit3A_54 = arith.constant 3.000000e+38 : f32
      %broadcast_in_dim3A_55 = vector.broadcast %jit3A_54 : f32 to vector<128x8192xf32>
      %select_n3A_56 = arith.select %eq3A_53, %broadcast_in_dim3A_55, %get3A_42 : vector<128x8192xi1>, vector<128x8192xf32>
      %swap3A_57 = arith.constant 0 : index
      %swap3A_58 = arith.constant 0 : index
      %swap3A_59 = vector.load %arg6[%swap3A_57, %swap3A_58] : memref<128x8192xf32, #tpu.memory_space<vmem>>, vector<128x8192xf32>
      tpu.vector_store %arg6[%swap3A_57, %swap3A_58], %select_n3A_56 {strides = array<i32>} : memref<128x8192xf32, #tpu.memory_space<vmem>>, vector<128x8192xf32>,
      %eq3A_60 = vector.broadcast %scan3A_38 : i32 to vector<128x32xi32>
      %eq3A_61 = arith.cmpi eq, %iota3A_27, %eq3A_60 : vector<128x32xi32>
      %broadcast_in_dim3A_62 = vector.shape_cast %broadcast_in_dim3A_51 : vector<128x1xi32> to vector<128x1xi32>
      %broadcast_in_dim3A_63 = vector.broadcast %broadcast_in_dim3A_62 : vector<128x1xi32> to vector<128x32xi32>
      %select_n3A_64 = arith.select %eq3A_61, %broadcast_in_dim3A_63, %scan3A_39 : vector<128x32xi1>, vector<128x32xi32>
      scf.yield %select_n3A_64 : vector<128x32xi32>
    }
    %scan3A_34 = arith.constant 20 : i32
    %swap3A_35 = arith.constant 0 : index
    %swap3A_36 = arith.constant 0 : index
    %swap3A_37 = vector.load %arg5[%swap3A_35, %swap3A_36] : memref<128x32xi32, #tpu.memory_space<vmem>>, vector<128x32xi32>
    tpu.vector_store %arg5[%swap3A_35, %swap3A_36], %scan3A_33 {strides = array<i32>} : memref<128x32xi32, #tpu.memory_space<vmem>>, vector<128x32xi32>,
    return
  }
  func.func @transform_0(%arg0: i32) -> (i32, i32) {
    %c0_i32 = arith.constant 0 : i32
    %c0_i32_0 = arith.constant 0 : i32
    return %arg0, %c0_i32 : i32, i32
  }
  func.func @transform_1(%arg0: i32) -> (i32, i32) {
    %c0_i32 = arith.constant 0 : i32
    %c0_i32_0 = arith.constant 0 : i32
    %c0_i32_1 = arith.constant 0 : i32
    return %c0_i32, %c0_i32_0 : i32, i32
  }
  func.func @transform_2(%arg0: i32) -> (i32, i32) {
    %c0_i32 = arith.constant 0 : i32
    %c0_i32_0 = arith.constant 0 : i32
    return %arg0, %c0_i32 : i32, i32
  }
  func.func @transform_3(%arg0: i32) -> (i32, i32) {
    %c0_i32 = arith.constant 0 : i32
    %c0_i32_0 = arith.constant 0 : i32
    %c0_i32_1 = arith.constant 0 : i32
    return %c0_i32, %c0_i32_0 : i32, i32
  }
  func.func @transform_4(%arg0: i32) -> (i32, i32) {
    %c0_i32 = arith.constant 0 : i32
    %c0_i32_0 = arith.constant 0 : i32
    return %arg0, %c0_i32 : i32, i32
  }
}

module attributes {stable_mosaic.version = 14 : i64} {
  func.func @_lin_body(%arg0: i32, %arg1: memref<1024x16xf32, #tpu.memory_space<vmem>>, %arg2: memref<16x128xf32, #tpu.memory_space<vmem>>, %arg3: memref<1x128xf32, #tpu.memory_space<vmem>>, %arg4: memref<1024x128xf32, #tpu.memory_space<vmem>>) attributes {dimension_semantics = [#tpu.dimension_semantics<arbitrary>], iteration_bounds = array<i64: 8>, scalar_prefetch = 0 : i64, scratch_operands = 0 : i64, tpu.core_type = #tpu.core_type<tc>, window_params = [{transform_indices = @transform_0, window_bounds = array<i64: 1024, 16>}, {pipeline_mode = #tpu.pipeline_mode<synchronous>, transform_indices = @transform_1, window_bounds = array<i64: 16, 128>}, {pipeline_mode = #tpu.pipeline_mode<synchronous>, transform_indices = @transform_2, window_bounds = array<i64: 1, 128>}, {transform_indices = @transform_3, window_bounds = array<i64: 1024, 128>}]} {
    %get3A = arith.constant 0 : index
    %get3A_0 = arith.constant 0 : index
    %get3A_1 = vector.load %arg1[%get3A, %get3A_0] : memref<1024x16xf32, #tpu.memory_space<vmem>>, vector<1024x16xf32>
    %get3A_2 = arith.constant 0 : index
    %get3A_3 = arith.constant 0 : index
    %get3A_4 = vector.load %arg2[%get3A_2, %get3A_3] : memref<16x128xf32, #tpu.memory_space<vmem>>, vector<16x128xf32>
    %dot_general3A = arith.constant dense<0.000000e+00> : vector<1024x128xf32>
    %dot_general3A_5 = tpu.matmul %get3A_1, %get3A_4, %dot_general3A {dimension_numbers = #tpu.dot_dimension_numbers<[1], [0], [0], [1], [0, 0, 1, 1], [], []>, transpose_lhs_hint = false} : vector<1024x16xf32>, vector<16x128xf32>, vector<1024x128xf32> -> vector<1024x128xf32>
    %get3A_6 = arith.constant 0 : index
    %get3A_7 = arith.constant 0 : index
    %get3A_8 = vector.load %arg3[%get3A_6, %get3A_7] : memref<1x128xf32, #tpu.memory_space<vmem>>, vector<1x128xf32>
    %add3A = vector.broadcast %get3A_8 : vector<1x128xf32> to vector<1024x128xf32>
    %add3A_9 = arith.addf %dot_general3A_5, %add3A : vector<1024x128xf32>
    %swap3A = arith.constant 0 : index
    %swap3A_10 = arith.constant 0 : index
    %swap3A_11 = vector.load %arg4[%swap3A, %swap3A_10] : memref<1024x128xf32, #tpu.memory_space<vmem>>, vector<1024x128xf32>
    tpu.vector_store %arg4[%swap3A, %swap3A_10], %add3A_9 {strides = array<i32>} : memref<1024x128xf32, #tpu.memory_space<vmem>>, vector<1024x128xf32>,
    return
  }
  func.func @transform_0(%arg0: i32) -> (i32, i32) {
    %c0_i32 = arith.constant 0 : i32
    %c0_i32_0 = arith.constant 0 : i32
    return %arg0, %c0_i32 : i32, i32
  }
  func.func @transform_1(%arg0: i32) -> (i32, i32) {
    %c0_i32 = arith.constant 0 : i32
    %c0_i32_0 = arith.constant 0 : i32
    %c0_i32_1 = arith.constant 0 : i32
    return %c0_i32, %c0_i32_0 : i32, i32
  }
  func.func @transform_2(%arg0: i32) -> (i32, i32) {
    %c0_i32 = arith.constant 0 : i32
    %c0_i32_0 = arith.constant 0 : i32
    %c0_i32_1 = arith.constant 0 : i32
    return %c0_i32, %c0_i32_0 : i32, i32
  }
  func.func @transform_3(%arg0: i32) -> (i32, i32) {
    %c0_i32 = arith.constant 0 : i32
    %c0_i32_0 = arith.constant 0 : i32
    return %arg0, %c0_i32 : i32, i32
  }
}

module attributes {stable_mosaic.version = 14 : i64} {
  func.func @_conv1_body(%arg0: i32, %arg1: memref<512x16xf32, #tpu.memory_space<vmem>>, %arg2: memref<20x512x128xf32, #tpu.memory_space<vmem>>, %arg3: memref<16x64xf32, #tpu.memory_space<vmem>>, %arg4: memref<1x64xf32, #tpu.memory_space<vmem>>, %arg5: memref<64x64xf32, #tpu.memory_space<vmem>>, %arg6: memref<1x64xf32, #tpu.memory_space<vmem>>, %arg7: memref<512x64xf32, #tpu.memory_space<vmem>>) attributes {dimension_semantics = [#tpu.dimension_semantics<arbitrary>], iteration_bounds = array<i64: 16>, scalar_prefetch = 0 : i64, scratch_operands = 0 : i64, tpu.core_type = #tpu.core_type<tc>, window_params = [{transform_indices = @transform_0, window_bounds = array<i64: 512, 16>}, {transform_indices = @transform_1, window_bounds = array<i64: 20, 512, 128>}, {pipeline_mode = #tpu.pipeline_mode<synchronous>, transform_indices = @transform_2, window_bounds = array<i64: 16, 64>}, {pipeline_mode = #tpu.pipeline_mode<synchronous>, transform_indices = @transform_3, window_bounds = array<i64: 1, 64>}, {pipeline_mode = #tpu.pipeline_mode<synchronous>, transform_indices = @transform_4, window_bounds = array<i64: 64, 64>}, {pipeline_mode = #tpu.pipeline_mode<synchronous>, transform_indices = @transform_5, window_bounds = array<i64: 1, 64>}, {transform_indices = @transform_6, window_bounds = array<i64: 512, 64>}]} {
    %get3A = arith.constant 0 : index
    %get3A_0 = arith.constant 0 : index
    %get3A_1 = vector.load %arg1[%get3A, %get3A_0] : memref<512x16xf32, #tpu.memory_space<vmem>>, vector<512x16xf32>
    %get3A_2 = arith.constant 0 : index
    %get3A_3 = arith.constant 0 : index
    %get3A_4 = vector.load %arg3[%get3A_2, %get3A_3] : memref<16x64xf32, #tpu.memory_space<vmem>>, vector<16x64xf32>
    %dot_general3A = arith.constant dense<0.000000e+00> : vector<512x64xf32>
    %dot_general3A_5 = tpu.matmul %get3A_1, %get3A_4, %dot_general3A {dimension_numbers = #tpu.dot_dimension_numbers<[1], [0], [0], [1], [0, 0, 1, 1], [], []>, transpose_lhs_hint = false} : vector<512x16xf32>, vector<16x64xf32>, vector<512x64xf32> -> vector<512x64xf32>
    %get3A_6 = arith.constant 0 : index
    %get3A_7 = arith.constant 0 : index
    %get3A_8 = vector.load %arg4[%get3A_6, %get3A_7] : memref<1x64xf32, #tpu.memory_space<vmem>>, vector<1x64xf32>
    %add3A = vector.broadcast %get3A_8 : vector<1x64xf32> to vector<512x64xf32>
    %add3A_9 = arith.addf %dot_general3A_5, %add3A : vector<512x64xf32>
    %broadcast_in_dim3A = arith.constant 0.000000e+00 : f32
    %broadcast_in_dim3A_10 = vector.broadcast %broadcast_in_dim3A : f32 to vector<512x64xf32>
    %get3A_11 = arith.constant 0 : index
    %get3A_12 = arith.constant 0 : index
    %get3A_13 = arith.constant 0 : index
    %get3A_14 = vector.load %arg2[%get3A_11, %get3A_12, %get3A_13] : memref<20x512x128xf32, #tpu.memory_space<vmem>>, vector<1x512x128xf32>
    %get3A_15 = vector.shape_cast %get3A_14 : vector<1x512x128xf32> to vector<512x128xf32>
    %slice3A = vector.extract_strided_slice %get3A_15 {offsets = [0, 0], sizes = [512, 64], strides = [1, 1]} : vector<512x128xf32> to vector<512x64xf32>
    %add3A_16 = arith.addf %add3A_9, %slice3A : vector<512x64xf32>
    %max3A = arith.constant 0.000000e+00 : f32
    %max3A_17 = vector.broadcast %max3A : f32 to vector<512x64xf32>
    %max3A_18 = arith.maximumf %add3A_16, %max3A_17 : vector<512x64xf32>
    %get3A_19 = arith.constant 0 : index
    %get3A_20 = arith.constant 0 : index
    %get3A_21 = vector.load %arg5[%get3A_19, %get3A_20] : memref<64x64xf32, #tpu.memory_space<vmem>>, vector<64x64xf32>
    %dot_general3A_22 = arith.constant dense<0.000000e+00> : vector<512x64xf32>
    %dot_general3A_23 = tpu.matmul %max3A_18, %get3A_21, %dot_general3A_22 {dimension_numbers = #tpu.dot_dimension_numbers<[1], [0], [0], [1], [0, 0, 1, 1], [], []>, transpose_lhs_hint = false} : vector<512x64xf32>, vector<64x64xf32>, vector<512x64xf32> -> vector<512x64xf32>
    %get3A_24 = arith.constant 0 : index
    %get3A_25 = arith.constant 0 : index
    %get3A_26 = vector.load %arg6[%get3A_24, %get3A_25] : memref<1x64xf32, #tpu.memory_space<vmem>>, vector<1x64xf32>
    %add3A_27 = vector.broadcast %get3A_26 : vector<1x64xf32> to vector<512x64xf32>
    %add3A_28 = arith.addf %dot_general3A_23, %add3A_27 : vector<512x64xf32>
    %max3A_29 = arith.constant 0.000000e+00 : f32
    %max3A_30 = vector.broadcast %max3A_29 : f32 to vector<512x64xf32>
    %max3A_31 = arith.maximumf %add3A_28, %max3A_30 : vector<512x64xf32>
    %max3A_32 = arith.maximumf %broadcast_in_dim3A_10, %max3A_31 : vector<512x64xf32>
    %get3A_33 = arith.constant 1 : index
    %get3A_34 = arith.constant 0 : index
    %get3A_35 = arith.constant 0 : index
    %get3A_36 = vector.load %arg2[%get3A_33, %get3A_34, %get3A_35] : memref<20x512x128xf32, #tpu.memory_space<vmem>>, vector<1x512x128xf32>
    %get3A_37 = vector.shape_cast %get3A_36 : vector<1x512x128xf32> to vector<512x128xf32>
    %slice3A_38 = vector.extract_strided_slice %get3A_37 {offsets = [0, 0], sizes = [512, 64], strides = [1, 1]} : vector<512x128xf32> to vector<512x64xf32>
    %add3A_39 = arith.addf %add3A_9, %slice3A_38 : vector<512x64xf32>
    %max3A_40 = arith.constant 0.000000e+00 : f32
    %max3A_41 = vector.broadcast %max3A_40 : f32 to vector<512x64xf32>
    %max3A_42 = arith.maximumf %add3A_39, %max3A_41 : vector<512x64xf32>
    %get3A_43 = arith.constant 0 : index
    %get3A_44 = arith.constant 0 : index
    %get3A_45 = vector.load %arg5[%get3A_43, %get3A_44] : memref<64x64xf32, #tpu.memory_space<vmem>>, vector<64x64xf32>
    %dot_general3A_46 = arith.constant dense<0.000000e+00> : vector<512x64xf32>
    %dot_general3A_47 = tpu.matmul %max3A_42, %get3A_45, %dot_general3A_46 {dimension_numbers = #tpu.dot_dimension_numbers<[1], [0], [0], [1], [0, 0, 1, 1], [], []>, transpose_lhs_hint = false} : vector<512x64xf32>, vector<64x64xf32>, vector<512x64xf32> -> vector<512x64xf32>
    %get3A_48 = arith.constant 0 : index
    %get3A_49 = arith.constant 0 : index
    %get3A_50 = vector.load %arg6[%get3A_48, %get3A_49] : memref<1x64xf32, #tpu.memory_space<vmem>>, vector<1x64xf32>
    %add3A_51 = vector.broadcast %get3A_50 : vector<1x64xf32> to vector<512x64xf32>
    %add3A_52 = arith.addf %dot_general3A_47, %add3A_51 : vector<512x64xf32>
    %max3A_53 = arith.constant 0.000000e+00 : f32
    %max3A_54 = vector.broadcast %max3A_53 : f32 to vector<512x64xf32>
    %max3A_55 = arith.maximumf %add3A_52, %max3A_54 : vector<512x64xf32>
    %max3A_56 = arith.maximumf %max3A_32, %max3A_55 : vector<512x64xf32>
    %get3A_57 = arith.constant 2 : index
    %get3A_58 = arith.constant 0 : index
    %get3A_59 = arith.constant 0 : index
    %get3A_60 = vector.load %arg2[%get3A_57, %get3A_58, %get3A_59] : memref<20x512x128xf32, #tpu.memory_space<vmem>>, vector<1x512x128xf32>
    %get3A_61 = vector.shape_cast %get3A_60 : vector<1x512x128xf32> to vector<512x128xf32>
    %slice3A_62 = vector.extract_strided_slice %get3A_61 {offsets = [0, 0], sizes = [512, 64], strides = [1, 1]} : vector<512x128xf32> to vector<512x64xf32>
    %add3A_63 = arith.addf %add3A_9, %slice3A_62 : vector<512x64xf32>
    %max3A_64 = arith.constant 0.000000e+00 : f32
    %max3A_65 = vector.broadcast %max3A_64 : f32 to vector<512x64xf32>
    %max3A_66 = arith.maximumf %add3A_63, %max3A_65 : vector<512x64xf32>
    %get3A_67 = arith.constant 0 : index
    %get3A_68 = arith.constant 0 : index
    %get3A_69 = vector.load %arg5[%get3A_67, %get3A_68] : memref<64x64xf32, #tpu.memory_space<vmem>>, vector<64x64xf32>
    %dot_general3A_70 = arith.constant dense<0.000000e+00> : vector<512x64xf32>
    %dot_general3A_71 = tpu.matmul %max3A_66, %get3A_69, %dot_general3A_70 {dimension_numbers = #tpu.dot_dimension_numbers<[1], [0], [0], [1], [0, 0, 1, 1], [], []>, transpose_lhs_hint = false} : vector<512x64xf32>, vector<64x64xf32>, vector<512x64xf32> -> vector<512x64xf32>
    %get3A_72 = arith.constant 0 : index
    %get3A_73 = arith.constant 0 : index
    %get3A_74 = vector.load %arg6[%get3A_72, %get3A_73] : memref<1x64xf32, #tpu.memory_space<vmem>>, vector<1x64xf32>
    %add3A_75 = vector.broadcast %get3A_74 : vector<1x64xf32> to vector<512x64xf32>
    %add3A_76 = arith.addf %dot_general3A_71, %add3A_75 : vector<512x64xf32>
    %max3A_77 = arith.constant 0.000000e+00 : f32
    %max3A_78 = vector.broadcast %max3A_77 : f32 to vector<512x64xf32>
    %max3A_79 = arith.maximumf %add3A_76, %max3A_78 : vector<512x64xf32>
    %max3A_80 = arith.maximumf %max3A_56, %max3A_79 : vector<512x64xf32>
    %get3A_81 = arith.constant 3 : index
    %get3A_82 = arith.constant 0 : index
    %get3A_83 = arith.constant 0 : index
    %get3A_84 = vector.load %arg2[%get3A_81, %get3A_82, %get3A_83] : memref<20x512x128xf32, #tpu.memory_space<vmem>>, vector<1x512x128xf32>
    %get3A_85 = vector.shape_cast %get3A_84 : vector<1x512x128xf32> to vector<512x128xf32>
    %slice3A_86 = vector.extract_strided_slice %get3A_85 {offsets = [0, 0], sizes = [512, 64], strides = [1, 1]} : vector<512x128xf32> to vector<512x64xf32>
    %add3A_87 = arith.addf %add3A_9, %slice3A_86 : vector<512x64xf32>
    %max3A_88 = arith.constant 0.000000e+00 : f32
    %max3A_89 = vector.broadcast %max3A_88 : f32 to vector<512x64xf32>
    %max3A_90 = arith.maximumf %add3A_87, %max3A_89 : vector<512x64xf32>
    %get3A_91 = arith.constant 0 : index
    %get3A_92 = arith.constant 0 : index
    %get3A_93 = vector.load %arg5[%get3A_91, %get3A_92] : memref<64x64xf32, #tpu.memory_space<vmem>>, vector<64x64xf32>
    %dot_general3A_94 = arith.constant dense<0.000000e+00> : vector<512x64xf32>
    %dot_general3A_95 = tpu.matmul %max3A_90, %get3A_93, %dot_general3A_94 {dimension_numbers = #tpu.dot_dimension_numbers<[1], [0], [0], [1], [0, 0, 1, 1], [], []>, transpose_lhs_hint = false} : vector<512x64xf32>, vector<64x64xf32>, vector<512x64xf32> -> vector<512x64xf32>
    %get3A_96 = arith.constant 0 : index
    %get3A_97 = arith.constant 0 : index
    %get3A_98 = vector.load %arg6[%get3A_96, %get3A_97] : memref<1x64xf32, #tpu.memory_space<vmem>>, vector<1x64xf32>
    %add3A_99 = vector.broadcast %get3A_98 : vector<1x64xf32> to vector<512x64xf32>
    %add3A_100 = arith.addf %dot_general3A_95, %add3A_99 : vector<512x64xf32>
    %max3A_101 = arith.constant 0.000000e+00 : f32
    %max3A_102 = vector.broadcast %max3A_101 : f32 to vector<512x64xf32>
    %max3A_103 = arith.maximumf %add3A_100, %max3A_102 : vector<512x64xf32>
    %max3A_104 = arith.maximumf %max3A_80, %max3A_103 : vector<512x64xf32>
    %get3A_105 = arith.constant 4 : index
    %get3A_106 = arith.constant 0 : index
    %get3A_107 = arith.constant 0 : index
    %get3A_108 = vector.load %arg2[%get3A_105, %get3A_106, %get3A_107] : memref<20x512x128xf32, #tpu.memory_space<vmem>>, vector<1x512x128xf32>
    %get3A_109 = vector.shape_cast %get3A_108 : vector<1x512x128xf32> to vector<512x128xf32>
    %slice3A_110 = vector.extract_strided_slice %get3A_109 {offsets = [0, 0], sizes = [512, 64], strides = [1, 1]} : vector<512x128xf32> to vector<512x64xf32>
    %add3A_111 = arith.addf %add3A_9, %slice3A_110 : vector<512x64xf32>
    %max3A_112 = arith.constant 0.000000e+00 : f32
    %max3A_113 = vector.broadcast %max3A_112 : f32 to vector<512x64xf32>
    %max3A_114 = arith.maximumf %add3A_111, %max3A_113 : vector<512x64xf32>
    %get3A_115 = arith.constant 0 : index
    %get3A_116 = arith.constant 0 : index
    %get3A_117 = vector.load %arg5[%get3A_115, %get3A_116] : memref<64x64xf32, #tpu.memory_space<vmem>>, vector<64x64xf32>
    %dot_general3A_118 = arith.constant dense<0.000000e+00> : vector<512x64xf32>
    %dot_general3A_119 = tpu.matmul %max3A_114, %get3A_117, %dot_general3A_118 {dimension_numbers = #tpu.dot_dimension_numbers<[1], [0], [0], [1], [0, 0, 1, 1], [], []>, transpose_lhs_hint = false} : vector<512x64xf32>, vector<64x64xf32>, vector<512x64xf32> -> vector<512x64xf32>
    %get3A_120 = arith.constant 0 : index
    %get3A_121 = arith.constant 0 : index
    %get3A_122 = vector.load %arg6[%get3A_120, %get3A_121] : memref<1x64xf32, #tpu.memory_space<vmem>>, vector<1x64xf32>
    %add3A_123 = vector.broadcast %get3A_122 : vector<1x64xf32> to vector<512x64xf32>
    %add3A_124 = arith.addf %dot_general3A_119, %add3A_123 : vector<512x64xf32>
    %max3A_125 = arith.constant 0.000000e+00 : f32
    %max3A_126 = vector.broadcast %max3A_125 : f32 to vector<512x64xf32>
    %max3A_127 = arith.maximumf %add3A_124, %max3A_126 : vector<512x64xf32>
    %max3A_128 = arith.maximumf %max3A_104, %max3A_127 : vector<512x64xf32>
    %get3A_129 = arith.constant 5 : index
    %get3A_130 = arith.constant 0 : index
    %get3A_131 = arith.constant 0 : index
    %get3A_132 = vector.load %arg2[%get3A_129, %get3A_130, %get3A_131] : memref<20x512x128xf32, #tpu.memory_space<vmem>>, vector<1x512x128xf32>
    %get3A_133 = vector.shape_cast %get3A_132 : vector<1x512x128xf32> to vector<512x128xf32>
    %slice3A_134 = vector.extract_strided_slice %get3A_133 {offsets = [0, 0], sizes = [512, 64], strides = [1, 1]} : vector<512x128xf32> to vector<512x64xf32>
    %add3A_135 = arith.addf %add3A_9, %slice3A_134 : vector<512x64xf32>
    %max3A_136 = arith.constant 0.000000e+00 : f32
    %max3A_137 = vector.broadcast %max3A_136 : f32 to vector<512x64xf32>
    %max3A_138 = arith.maximumf %add3A_135, %max3A_137 : vector<512x64xf32>
    %get3A_139 = arith.constant 0 : index
    %get3A_140 = arith.constant 0 : index
    %get3A_141 = vector.load %arg5[%get3A_139, %get3A_140] : memref<64x64xf32, #tpu.memory_space<vmem>>, vector<64x64xf32>
    %dot_general3A_142 = arith.constant dense<0.000000e+00> : vector<512x64xf32>
    %dot_general3A_143 = tpu.matmul %max3A_138, %get3A_141, %dot_general3A_142 {dimension_numbers = #tpu.dot_dimension_numbers<[1], [0], [0], [1], [0, 0, 1, 1], [], []>, transpose_lhs_hint = false} : vector<512x64xf32>, vector<64x64xf32>, vector<512x64xf32> -> vector<512x64xf32>
    %get3A_144 = arith.constant 0 : index
    %get3A_145 = arith.constant 0 : index
    %get3A_146 = vector.load %arg6[%get3A_144, %get3A_145] : memref<1x64xf32, #tpu.memory_space<vmem>>, vector<1x64xf32>
    %add3A_147 = vector.broadcast %get3A_146 : vector<1x64xf32> to vector<512x64xf32>
    %add3A_148 = arith.addf %dot_general3A_143, %add3A_147 : vector<512x64xf32>
    %max3A_149 = arith.constant 0.000000e+00 : f32
    %max3A_150 = vector.broadcast %max3A_149 : f32 to vector<512x64xf32>
    %max3A_151 = arith.maximumf %add3A_148, %max3A_150 : vector<512x64xf32>
    %max3A_152 = arith.maximumf %max3A_128, %max3A_151 : vector<512x64xf32>
    %get3A_153 = arith.constant 6 : index
    %get3A_154 = arith.constant 0 : index
    %get3A_155 = arith.constant 0 : index
    %get3A_156 = vector.load %arg2[%get3A_153, %get3A_154, %get3A_155] : memref<20x512x128xf32, #tpu.memory_space<vmem>>, vector<1x512x128xf32>
    %get3A_157 = vector.shape_cast %get3A_156 : vector<1x512x128xf32> to vector<512x128xf32>
    %slice3A_158 = vector.extract_strided_slice %get3A_157 {offsets = [0, 0], sizes = [512, 64], strides = [1, 1]} : vector<512x128xf32> to vector<512x64xf32>
    %add3A_159 = arith.addf %add3A_9, %slice3A_158 : vector<512x64xf32>
    %max3A_160 = arith.constant 0.000000e+00 : f32
    %max3A_161 = vector.broadcast %max3A_160 : f32 to vector<512x64xf32>
    %max3A_162 = arith.maximumf %add3A_159, %max3A_161 : vector<512x64xf32>
    %get3A_163 = arith.constant 0 : index
    %get3A_164 = arith.constant 0 : index
    %get3A_165 = vector.load %arg5[%get3A_163, %get3A_164] : memref<64x64xf32, #tpu.memory_space<vmem>>, vector<64x64xf32>
    %dot_general3A_166 = arith.constant dense<0.000000e+00> : vector<512x64xf32>
    %dot_general3A_167 = tpu.matmul %max3A_162, %get3A_165, %dot_general3A_166 {dimension_numbers = #tpu.dot_dimension_numbers<[1], [0], [0], [1], [0, 0, 1, 1], [], []>, transpose_lhs_hint = false} : vector<512x64xf32>, vector<64x64xf32>, vector<512x64xf32> -> vector<512x64xf32>
    %get3A_168 = arith.constant 0 : index
    %get3A_169 = arith.constant 0 : index
    %get3A_170 = vector.load %arg6[%get3A_168, %get3A_169] : memref<1x64xf32, #tpu.memory_space<vmem>>, vector<1x64xf32>
    %add3A_171 = vector.broadcast %get3A_170 : vector<1x64xf32> to vector<512x64xf32>
    %add3A_172 = arith.addf %dot_general3A_167, %add3A_171 : vector<512x64xf32>
    %max3A_173 = arith.constant 0.000000e+00 : f32
    %max3A_174 = vector.broadcast %max3A_173 : f32 to vector<512x64xf32>
    %max3A_175 = arith.maximumf %add3A_172, %max3A_174 : vector<512x64xf32>
    %max3A_176 = arith.maximumf %max3A_152, %max3A_175 : vector<512x64xf32>
    %get3A_177 = arith.constant 7 : index
    %get3A_178 = arith.constant 0 : index
    %get3A_179 = arith.constant 0 : index
    %get3A_180 = vector.load %arg2[%get3A_177, %get3A_178, %get3A_179] : memref<20x512x128xf32, #tpu.memory_space<vmem>>, vector<1x512x128xf32>
    %get3A_181 = vector.shape_cast %get3A_180 : vector<1x512x128xf32> to vector<512x128xf32>
    %slice3A_182 = vector.extract_strided_slice %get3A_181 {offsets = [0, 0], sizes = [512, 64], strides = [1, 1]} : vector<512x128xf32> to vector<512x64xf32>
    %add3A_183 = arith.addf %add3A_9, %slice3A_182 : vector<512x64xf32>
    %max3A_184 = arith.constant 0.000000e+00 : f32
    %max3A_185 = vector.broadcast %max3A_184 : f32 to vector<512x64xf32>
    %max3A_186 = arith.maximumf %add3A_183, %max3A_185 : vector<512x64xf32>
    %get3A_187 = arith.constant 0 : index
    %get3A_188 = arith.constant 0 : index
    %get3A_189 = vector.load %arg5[%get3A_187, %get3A_188] : memref<64x64xf32, #tpu.memory_space<vmem>>, vector<64x64xf32>
    %dot_general3A_190 = arith.constant dense<0.000000e+00> : vector<512x64xf32>
    %dot_general3A_191 = tpu.matmul %max3A_186, %get3A_189, %dot_general3A_190 {dimension_numbers = #tpu.dot_dimension_numbers<[1], [0], [0], [1], [0, 0, 1, 1], [], []>, transpose_lhs_hint = false} : vector<512x64xf32>, vector<64x64xf32>, vector<512x64xf32> -> vector<512x64xf32>
    %get3A_192 = arith.constant 0 : index
    %get3A_193 = arith.constant 0 : index
    %get3A_194 = vector.load %arg6[%get3A_192, %get3A_193] : memref<1x64xf32, #tpu.memory_space<vmem>>, vector<1x64xf32>
    %add3A_195 = vector.broadcast %get3A_194 : vector<1x64xf32> to vector<512x64xf32>
    %add3A_196 = arith.addf %dot_general3A_191, %add3A_195 : vector<512x64xf32>
    %max3A_197 = arith.constant 0.000000e+00 : f32
    %max3A_198 = vector.broadcast %max3A_197 : f32 to vector<512x64xf32>
    %max3A_199 = arith.maximumf %add3A_196, %max3A_198 : vector<512x64xf32>
    %max3A_200 = arith.maximumf %max3A_176, %max3A_199 : vector<512x64xf32>
    %get3A_201 = arith.constant 8 : index
    %get3A_202 = arith.constant 0 : index
    %get3A_203 = arith.constant 0 : index
    %get3A_204 = vector.load %arg2[%get3A_201, %get3A_202, %get3A_203] : memref<20x512x128xf32, #tpu.memory_space<vmem>>, vector<1x512x128xf32>
    %get3A_205 = vector.shape_cast %get3A_204 : vector<1x512x128xf32> to vector<512x128xf32>
    %slice3A_206 = vector.extract_strided_slice %get3A_205 {offsets = [0, 0], sizes = [512, 64], strides = [1, 1]} : vector<512x128xf32> to vector<512x64xf32>
    %add3A_207 = arith.addf %add3A_9, %slice3A_206 : vector<512x64xf32>
    %max3A_208 = arith.constant 0.000000e+00 : f32
    %max3A_209 = vector.broadcast %max3A_208 : f32 to vector<512x64xf32>
    %max3A_210 = arith.maximumf %add3A_207, %max3A_209 : vector<512x64xf32>
    %get3A_211 = arith.constant 0 : index
    %get3A_212 = arith.constant 0 : index
    %get3A_213 = vector.load %arg5[%get3A_211, %get3A_212] : memref<64x64xf32, #tpu.memory_space<vmem>>, vector<64x64xf32>
    %dot_general3A_214 = arith.constant dense<0.000000e+00> : vector<512x64xf32>
    %dot_general3A_215 = tpu.matmul %max3A_210, %get3A_213, %dot_general3A_214 {dimension_numbers = #tpu.dot_dimension_numbers<[1], [0], [0], [1], [0, 0, 1, 1], [], []>, transpose_lhs_hint = false} : vector<512x64xf32>, vector<64x64xf32>, vector<512x64xf32> -> vector<512x64xf32>
    %get3A_216 = arith.constant 0 : index
    %get3A_217 = arith.constant 0 : index
    %get3A_218 = vector.load %arg6[%get3A_216, %get3A_217] : memref<1x64xf32, #tpu.memory_space<vmem>>, vector<1x64xf32>
    %add3A_219 = vector.broadcast %get3A_218 : vector<1x64xf32> to vector<512x64xf32>
    %add3A_220 = arith.addf %dot_general3A_215, %add3A_219 : vector<512x64xf32>
    %max3A_221 = arith.constant 0.000000e+00 : f32
    %max3A_222 = vector.broadcast %max3A_221 : f32 to vector<512x64xf32>
    %max3A_223 = arith.maximumf %add3A_220, %max3A_222 : vector<512x64xf32>
    %max3A_224 = arith.maximumf %max3A_200, %max3A_223 : vector<512x64xf32>
    %get3A_225 = arith.constant 9 : index
    %get3A_226 = arith.constant 0 : index
    %get3A_227 = arith.constant 0 : index
    %get3A_228 = vector.load %arg2[%get3A_225, %get3A_226, %get3A_227] : memref<20x512x128xf32, #tpu.memory_space<vmem>>, vector<1x512x128xf32>
    %get3A_229 = vector.shape_cast %get3A_228 : vector<1x512x128xf32> to vector<512x128xf32>
    %slice3A_230 = vector.extract_strided_slice %get3A_229 {offsets = [0, 0], sizes = [512, 64], strides = [1, 1]} : vector<512x128xf32> to vector<512x64xf32>
    %add3A_231 = arith.addf %add3A_9, %slice3A_230 : vector<512x64xf32>
    %max3A_232 = arith.constant 0.000000e+00 : f32
    %max3A_233 = vector.broadcast %max3A_232 : f32 to vector<512x64xf32>
    %max3A_234 = arith.maximumf %add3A_231, %max3A_233 : vector<512x64xf32>
    %get3A_235 = arith.constant 0 : index
    %get3A_236 = arith.constant 0 : index
    %get3A_237 = vector.load %arg5[%get3A_235, %get3A_236] : memref<64x64xf32, #tpu.memory_space<vmem>>, vector<64x64xf32>
    %dot_general3A_238 = arith.constant dense<0.000000e+00> : vector<512x64xf32>
    %dot_general3A_239 = tpu.matmul %max3A_234, %get3A_237, %dot_general3A_238 {dimension_numbers = #tpu.dot_dimension_numbers<[1], [0], [0], [1], [0, 0, 1, 1], [], []>, transpose_lhs_hint = false} : vector<512x64xf32>, vector<64x64xf32>, vector<512x64xf32> -> vector<512x64xf32>
    %get3A_240 = arith.constant 0 : index
    %get3A_241 = arith.constant 0 : index
    %get3A_242 = vector.load %arg6[%get3A_240, %get3A_241] : memref<1x64xf32, #tpu.memory_space<vmem>>, vector<1x64xf32>
    %add3A_243 = vector.broadcast %get3A_242 : vector<1x64xf32> to vector<512x64xf32>
    %add3A_244 = arith.addf %dot_general3A_239, %add3A_243 : vector<512x64xf32>
    %max3A_245 = arith.constant 0.000000e+00 : f32
    %max3A_246 = vector.broadcast %max3A_245 : f32 to vector<512x64xf32>
    %max3A_247 = arith.maximumf %add3A_244, %max3A_246 : vector<512x64xf32>
    %max3A_248 = arith.maximumf %max3A_224, %max3A_247 : vector<512x64xf32>
    %get3A_249 = arith.constant 10 : index
    %get3A_250 = arith.constant 0 : index
    %get3A_251 = arith.constant 0 : index
    %get3A_252 = vector.load %arg2[%get3A_249, %get3A_250, %get3A_251] : memref<20x512x128xf32, #tpu.memory_space<vmem>>, vector<1x512x128xf32>
    %get3A_253 = vector.shape_cast %get3A_252 : vector<1x512x128xf32> to vector<512x128xf32>
    %slice3A_254 = vector.extract_strided_slice %get3A_253 {offsets = [0, 0], sizes = [512, 64], strides = [1, 1]} : vector<512x128xf32> to vector<512x64xf32>
    %add3A_255 = arith.addf %add3A_9, %slice3A_254 : vector<512x64xf32>
    %max3A_256 = arith.constant 0.000000e+00 : f32
    %max3A_257 = vector.broadcast %max3A_256 : f32 to vector<512x64xf32>
    %max3A_258 = arith.maximumf %add3A_255, %max3A_257 : vector<512x64xf32>
    %get3A_259 = arith.constant 0 : index
    %get3A_260 = arith.constant 0 : index
    %get3A_261 = vector.load %arg5[%get3A_259, %get3A_260] : memref<64x64xf32, #tpu.memory_space<vmem>>, vector<64x64xf32>
    %dot_general3A_262 = arith.constant dense<0.000000e+00> : vector<512x64xf32>
    %dot_general3A_263 = tpu.matmul %max3A_258, %get3A_261, %dot_general3A_262 {dimension_numbers = #tpu.dot_dimension_numbers<[1], [0], [0], [1], [0, 0, 1, 1], [], []>, transpose_lhs_hint = false} : vector<512x64xf32>, vector<64x64xf32>, vector<512x64xf32> -> vector<512x64xf32>
    %get3A_264 = arith.constant 0 : index
    %get3A_265 = arith.constant 0 : index
    %get3A_266 = vector.load %arg6[%get3A_264, %get3A_265] : memref<1x64xf32, #tpu.memory_space<vmem>>, vector<1x64xf32>
    %add3A_267 = vector.broadcast %get3A_266 : vector<1x64xf32> to vector<512x64xf32>
    %add3A_268 = arith.addf %dot_general3A_263, %add3A_267 : vector<512x64xf32>
    %max3A_269 = arith.constant 0.000000e+00 : f32
    %max3A_270 = vector.broadcast %max3A_269 : f32 to vector<512x64xf32>
    %max3A_271 = arith.maximumf %add3A_268, %max3A_270 : vector<512x64xf32>
    %max3A_272 = arith.maximumf %max3A_248, %max3A_271 : vector<512x64xf32>
    %get3A_273 = arith.constant 11 : index
    %get3A_274 = arith.constant 0 : index
    %get3A_275 = arith.constant 0 : index
    %get3A_276 = vector.load %arg2[%get3A_273, %get3A_274, %get3A_275] : memref<20x512x128xf32, #tpu.memory_space<vmem>>, vector<1x512x128xf32>
    %get3A_277 = vector.shape_cast %get3A_276 : vector<1x512x128xf32> to vector<512x128xf32>
    %slice3A_278 = vector.extract_strided_slice %get3A_277 {offsets = [0, 0], sizes = [512, 64], strides = [1, 1]} : vector<512x128xf32> to vector<512x64xf32>
    %add3A_279 = arith.addf %add3A_9, %slice3A_278 : vector<512x64xf32>
    %max3A_280 = arith.constant 0.000000e+00 : f32
    %max3A_281 = vector.broadcast %max3A_280 : f32 to vector<512x64xf32>
    %max3A_282 = arith.maximumf %add3A_279, %max3A_281 : vector<512x64xf32>
    %get3A_283 = arith.constant 0 : index
    %get3A_284 = arith.constant 0 : index
    %get3A_285 = vector.load %arg5[%get3A_283, %get3A_284] : memref<64x64xf32, #tpu.memory_space<vmem>>, vector<64x64xf32>
    %dot_general3A_286 = arith.constant dense<0.000000e+00> : vector<512x64xf32>
    %dot_general3A_287 = tpu.matmul %max3A_282, %get3A_285, %dot_general3A_286 {dimension_numbers = #tpu.dot_dimension_numbers<[1], [0], [0], [1], [0, 0, 1, 1], [], []>, transpose_lhs_hint = false} : vector<512x64xf32>, vector<64x64xf32>, vector<512x64xf32> -> vector<512x64xf32>
    %get3A_288 = arith.constant 0 : index
    %get3A_289 = arith.constant 0 : index
    %get3A_290 = vector.load %arg6[%get3A_288, %get3A_289] : memref<1x64xf32, #tpu.memory_space<vmem>>, vector<1x64xf32>
    %add3A_291 = vector.broadcast %get3A_290 : vector<1x64xf32> to vector<512x64xf32>
    %add3A_292 = arith.addf %dot_general3A_287, %add3A_291 : vector<512x64xf32>
    %max3A_293 = arith.constant 0.000000e+00 : f32
    %max3A_294 = vector.broadcast %max3A_293 : f32 to vector<512x64xf32>
    %max3A_295 = arith.maximumf %add3A_292, %max3A_294 : vector<512x64xf32>
    %max3A_296 = arith.maximumf %max3A_272, %max3A_295 : vector<512x64xf32>
    %get3A_297 = arith.constant 12 : index
    %get3A_298 = arith.constant 0 : index
    %get3A_299 = arith.constant 0 : index
    %get3A_300 = vector.load %arg2[%get3A_297, %get3A_298, %get3A_299] : memref<20x512x128xf32, #tpu.memory_space<vmem>>, vector<1x512x128xf32>
    %get3A_301 = vector.shape_cast %get3A_300 : vector<1x512x128xf32> to vector<512x128xf32>
    %slice3A_302 = vector.extract_strided_slice %get3A_301 {offsets = [0, 0], sizes = [512, 64], strides = [1, 1]} : vector<512x128xf32> to vector<512x64xf32>
    %add3A_303 = arith.addf %add3A_9, %slice3A_302 : vector<512x64xf32>
    %max3A_304 = arith.constant 0.000000e+00 : f32
    %max3A_305 = vector.broadcast %max3A_304 : f32 to vector<512x64xf32>
    %max3A_306 = arith.maximumf %add3A_303, %max3A_305 : vector<512x64xf32>
    %get3A_307 = arith.constant 0 : index
    %get3A_308 = arith.constant 0 : index
    %get3A_309 = vector.load %arg5[%get3A_307, %get3A_308] : memref<64x64xf32, #tpu.memory_space<vmem>>, vector<64x64xf32>
    %dot_general3A_310 = arith.constant dense<0.000000e+00> : vector<512x64xf32>
    %dot_general3A_311 = tpu.matmul %max3A_306, %get3A_309, %dot_general3A_310 {dimension_numbers = #tpu.dot_dimension_numbers<[1], [0], [0], [1], [0, 0, 1, 1], [], []>, transpose_lhs_hint = false} : vector<512x64xf32>, vector<64x64xf32>, vector<512x64xf32> -> vector<512x64xf32>
    %get3A_312 = arith.constant 0 : index
    %get3A_313 = arith.constant 0 : index
    %get3A_314 = vector.load %arg6[%get3A_312, %get3A_313] : memref<1x64xf32, #tpu.memory_space<vmem>>, vector<1x64xf32>
    %add3A_315 = vector.broadcast %get3A_314 : vector<1x64xf32> to vector<512x64xf32>
    %add3A_316 = arith.addf %dot_general3A_311, %add3A_315 : vector<512x64xf32>
    %max3A_317 = arith.constant 0.000000e+00 : f32
    %max3A_318 = vector.broadcast %max3A_317 : f32 to vector<512x64xf32>
    %max3A_319 = arith.maximumf %add3A_316, %max3A_318 : vector<512x64xf32>
    %max3A_320 = arith.maximumf %max3A_296, %max3A_319 : vector<512x64xf32>
    %get3A_321 = arith.constant 13 : index
    %get3A_322 = arith.constant 0 : index
    %get3A_323 = arith.constant 0 : index
    %get3A_324 = vector.load %arg2[%get3A_321, %get3A_322, %get3A_323] : memref<20x512x128xf32, #tpu.memory_space<vmem>>, vector<1x512x128xf32>
    %get3A_325 = vector.shape_cast %get3A_324 : vector<1x512x128xf32> to vector<512x128xf32>
    %slice3A_326 = vector.extract_strided_slice %get3A_325 {offsets = [0, 0], sizes = [512, 64], strides = [1, 1]} : vector<512x128xf32> to vector<512x64xf32>
    %add3A_327 = arith.addf %add3A_9, %slice3A_326 : vector<512x64xf32>
    %max3A_328 = arith.constant 0.000000e+00 : f32
    %max3A_329 = vector.broadcast %max3A_328 : f32 to vector<512x64xf32>
    %max3A_330 = arith.maximumf %add3A_327, %max3A_329 : vector<512x64xf32>
    %get3A_331 = arith.constant 0 : index
    %get3A_332 = arith.constant 0 : index
    %get3A_333 = vector.load %arg5[%get3A_331, %get3A_332] : memref<64x64xf32, #tpu.memory_space<vmem>>, vector<64x64xf32>
    %dot_general3A_334 = arith.constant dense<0.000000e+00> : vector<512x64xf32>
    %dot_general3A_335 = tpu.matmul %max3A_330, %get3A_333, %dot_general3A_334 {dimension_numbers = #tpu.dot_dimension_numbers<[1], [0], [0], [1], [0, 0, 1, 1], [], []>, transpose_lhs_hint = false} : vector<512x64xf32>, vector<64x64xf32>, vector<512x64xf32> -> vector<512x64xf32>
    %get3A_336 = arith.constant 0 : index
    %get3A_337 = arith.constant 0 : index
    %get3A_338 = vector.load %arg6[%get3A_336, %get3A_337] : memref<1x64xf32, #tpu.memory_space<vmem>>, vector<1x64xf32>
    %add3A_339 = vector.broadcast %get3A_338 : vector<1x64xf32> to vector<512x64xf32>
    %add3A_340 = arith.addf %dot_general3A_335, %add3A_339 : vector<512x64xf32>
    %max3A_341 = arith.constant 0.000000e+00 : f32
    %max3A_342 = vector.broadcast %max3A_341 : f32 to vector<512x64xf32>
    %max3A_343 = arith.maximumf %add3A_340, %max3A_342 : vector<512x64xf32>
    %max3A_344 = arith.maximumf %max3A_320, %max3A_343 : vector<512x64xf32>
    %get3A_345 = arith.constant 14 : index
    %get3A_346 = arith.constant 0 : index
    %get3A_347 = arith.constant 0 : index
    %get3A_348 = vector.load %arg2[%get3A_345, %get3A_346, %get3A_347] : memref<20x512x128xf32, #tpu.memory_space<vmem>>, vector<1x512x128xf32>
    %get3A_349 = vector.shape_cast %get3A_348 : vector<1x512x128xf32> to vector<512x128xf32>
    %slice3A_350 = vector.extract_strided_slice %get3A_349 {offsets = [0, 0], sizes = [512, 64], strides = [1, 1]} : vector<512x128xf32> to vector<512x64xf32>
    %add3A_351 = arith.addf %add3A_9, %slice3A_350 : vector<512x64xf32>
    %max3A_352 = arith.constant 0.000000e+00 : f32
    %max3A_353 = vector.broadcast %max3A_352 : f32 to vector<512x64xf32>
    %max3A_354 = arith.maximumf %add3A_351, %max3A_353 : vector<512x64xf32>
    %get3A_355 = arith.constant 0 : index
    %get3A_356 = arith.constant 0 : index
    %get3A_357 = vector.load %arg5[%get3A_355, %get3A_356] : memref<64x64xf32, #tpu.memory_space<vmem>>, vector<64x64xf32>
    %dot_general3A_358 = arith.constant dense<0.000000e+00> : vector<512x64xf32>
    %dot_general3A_359 = tpu.matmul %max3A_354, %get3A_357, %dot_general3A_358 {dimension_numbers = #tpu.dot_dimension_numbers<[1], [0], [0], [1], [0, 0, 1, 1], [], []>, transpose_lhs_hint = false} : vector<512x64xf32>, vector<64x64xf32>, vector<512x64xf32> -> vector<512x64xf32>
    %get3A_360 = arith.constant 0 : index
    %get3A_361 = arith.constant 0 : index
    %get3A_362 = vector.load %arg6[%get3A_360, %get3A_361] : memref<1x64xf32, #tpu.memory_space<vmem>>, vector<1x64xf32>
    %add3A_363 = vector.broadcast %get3A_362 : vector<1x64xf32> to vector<512x64xf32>
    %add3A_364 = arith.addf %dot_general3A_359, %add3A_363 : vector<512x64xf32>
    %max3A_365 = arith.constant 0.000000e+00 : f32
    %max3A_366 = vector.broadcast %max3A_365 : f32 to vector<512x64xf32>
    %max3A_367 = arith.maximumf %add3A_364, %max3A_366 : vector<512x64xf32>
    %max3A_368 = arith.maximumf %max3A_344, %max3A_367 : vector<512x64xf32>
    %get3A_369 = arith.constant 15 : index
    %get3A_370 = arith.constant 0 : index
    %get3A_371 = arith.constant 0 : index
    %get3A_372 = vector.load %arg2[%get3A_369, %get3A_370, %get3A_371] : memref<20x512x128xf32, #tpu.memory_space<vmem>>, vector<1x512x128xf32>
    %get3A_373 = vector.shape_cast %get3A_372 : vector<1x512x128xf32> to vector<512x128xf32>
    %slice3A_374 = vector.extract_strided_slice %get3A_373 {offsets = [0, 0], sizes = [512, 64], strides = [1, 1]} : vector<512x128xf32> to vector<512x64xf32>
    %add3A_375 = arith.addf %add3A_9, %slice3A_374 : vector<512x64xf32>
    %max3A_376 = arith.constant 0.000000e+00 : f32
    %max3A_377 = vector.broadcast %max3A_376 : f32 to vector<512x64xf32>
    %max3A_378 = arith.maximumf %add3A_375, %max3A_377 : vector<512x64xf32>
    %get3A_379 = arith.constant 0 : index
    %get3A_380 = arith.constant 0 : index
    %get3A_381 = vector.load %arg5[%get3A_379, %get3A_380] : memref<64x64xf32, #tpu.memory_space<vmem>>, vector<64x64xf32>
    %dot_general3A_382 = arith.constant dense<0.000000e+00> : vector<512x64xf32>
    %dot_general3A_383 = tpu.matmul %max3A_378, %get3A_381, %dot_general3A_382 {dimension_numbers = #tpu.dot_dimension_numbers<[1], [0], [0], [1], [0, 0, 1, 1], [], []>, transpose_lhs_hint = false} : vector<512x64xf32>, vector<64x64xf32>, vector<512x64xf32> -> vector<512x64xf32>
    %get3A_384 = arith.constant 0 : index
    %get3A_385 = arith.constant 0 : index
    %get3A_386 = vector.load %arg6[%get3A_384, %get3A_385] : memref<1x64xf32, #tpu.memory_space<vmem>>, vector<1x64xf32>
    %add3A_387 = vector.broadcast %get3A_386 : vector<1x64xf32> to vector<512x64xf32>
    %add3A_388 = arith.addf %dot_general3A_383, %add3A_387 : vector<512x64xf32>
    %max3A_389 = arith.constant 0.000000e+00 : f32
    %max3A_390 = vector.broadcast %max3A_389 : f32 to vector<512x64xf32>
    %max3A_391 = arith.maximumf %add3A_388, %max3A_390 : vector<512x64xf32>
    %max3A_392 = arith.maximumf %max3A_368, %max3A_391 : vector<512x64xf32>
    %get3A_393 = arith.constant 16 : index
    %get3A_394 = arith.constant 0 : index
    %get3A_395 = arith.constant 0 : index
    %get3A_396 = vector.load %arg2[%get3A_393, %get3A_394, %get3A_395] : memref<20x512x128xf32, #tpu.memory_space<vmem>>, vector<1x512x128xf32>
    %get3A_397 = vector.shape_cast %get3A_396 : vector<1x512x128xf32> to vector<512x128xf32>
    %slice3A_398 = vector.extract_strided_slice %get3A_397 {offsets = [0, 0], sizes = [512, 64], strides = [1, 1]} : vector<512x128xf32> to vector<512x64xf32>
    %add3A_399 = arith.addf %add3A_9, %slice3A_398 : vector<512x64xf32>
    %max3A_400 = arith.constant 0.000000e+00 : f32
    %max3A_401 = vector.broadcast %max3A_400 : f32 to vector<512x64xf32>
    %max3A_402 = arith.maximumf %add3A_399, %max3A_401 : vector<512x64xf32>
    %get3A_403 = arith.constant 0 : index
    %get3A_404 = arith.constant 0 : index
    %get3A_405 = vector.load %arg5[%get3A_403, %get3A_404] : memref<64x64xf32, #tpu.memory_space<vmem>>, vector<64x64xf32>
    %dot_general3A_406 = arith.constant dense<0.000000e+00> : vector<512x64xf32>
    %dot_general3A_407 = tpu.matmul %max3A_402, %get3A_405, %dot_general3A_406 {dimension_numbers = #tpu.dot_dimension_numbers<[1], [0], [0], [1], [0, 0, 1, 1], [], []>, transpose_lhs_hint = false} : vector<512x64xf32>, vector<64x64xf32>, vector<512x64xf32> -> vector<512x64xf32>
    %get3A_408 = arith.constant 0 : index
    %get3A_409 = arith.constant 0 : index
    %get3A_410 = vector.load %arg6[%get3A_408, %get3A_409] : memref<1x64xf32, #tpu.memory_space<vmem>>, vector<1x64xf32>
    %add3A_411 = vector.broadcast %get3A_410 : vector<1x64xf32> to vector<512x64xf32>
    %add3A_412 = arith.addf %dot_general3A_407, %add3A_411 : vector<512x64xf32>
    %max3A_413 = arith.constant 0.000000e+00 : f32
    %max3A_414 = vector.broadcast %max3A_413 : f32 to vector<512x64xf32>
    %max3A_415 = arith.maximumf %add3A_412, %max3A_414 : vector<512x64xf32>
    %max3A_416 = arith.maximumf %max3A_392, %max3A_415 : vector<512x64xf32>
    %get3A_417 = arith.constant 17 : index
    %get3A_418 = arith.constant 0 : index
    %get3A_419 = arith.constant 0 : index
    %get3A_420 = vector.load %arg2[%get3A_417, %get3A_418, %get3A_419] : memref<20x512x128xf32, #tpu.memory_space<vmem>>, vector<1x512x128xf32>
    %get3A_421 = vector.shape_cast %get3A_420 : vector<1x512x128xf32> to vector<512x128xf32>
    %slice3A_422 = vector.extract_strided_slice %get3A_421 {offsets = [0, 0], sizes = [512, 64], strides = [1, 1]} : vector<512x128xf32> to vector<512x64xf32>
    %add3A_423 = arith.addf %add3A_9, %slice3A_422 : vector<512x64xf32>
    %max3A_424 = arith.constant 0.000000e+00 : f32
    %max3A_425 = vector.broadcast %max3A_424 : f32 to vector<512x64xf32>
    %max3A_426 = arith.maximumf %add3A_423, %max3A_425 : vector<512x64xf32>
    %get3A_427 = arith.constant 0 : index
    %get3A_428 = arith.constant 0 : index
    %get3A_429 = vector.load %arg5[%get3A_427, %get3A_428] : memref<64x64xf32, #tpu.memory_space<vmem>>, vector<64x64xf32>
    %dot_general3A_430 = arith.constant dense<0.000000e+00> : vector<512x64xf32>
    %dot_general3A_431 = tpu.matmul %max3A_426, %get3A_429, %dot_general3A_430 {dimension_numbers = #tpu.dot_dimension_numbers<[1], [0], [0], [1], [0, 0, 1, 1], [], []>, transpose_lhs_hint = false} : vector<512x64xf32>, vector<64x64xf32>, vector<512x64xf32> -> vector<512x64xf32>
    %get3A_432 = arith.constant 0 : index
    %get3A_433 = arith.constant 0 : index
    %get3A_434 = vector.load %arg6[%get3A_432, %get3A_433] : memref<1x64xf32, #tpu.memory_space<vmem>>, vector<1x64xf32>
    %add3A_435 = vector.broadcast %get3A_434 : vector<1x64xf32> to vector<512x64xf32>
    %add3A_436 = arith.addf %dot_general3A_431, %add3A_435 : vector<512x64xf32>
    %max3A_437 = arith.constant 0.000000e+00 : f32
    %max3A_438 = vector.broadcast %max3A_437 : f32 to vector<512x64xf32>
    %max3A_439 = arith.maximumf %add3A_436, %max3A_438 : vector<512x64xf32>
    %max3A_440 = arith.maximumf %max3A_416, %max3A_439 : vector<512x64xf32>
    %get3A_441 = arith.constant 18 : index
    %get3A_442 = arith.constant 0 : index
    %get3A_443 = arith.constant 0 : index
    %get3A_444 = vector.load %arg2[%get3A_441, %get3A_442, %get3A_443] : memref<20x512x128xf32, #tpu.memory_space<vmem>>, vector<1x512x128xf32>
    %get3A_445 = vector.shape_cast %get3A_444 : vector<1x512x128xf32> to vector<512x128xf32>
    %slice3A_446 = vector.extract_strided_slice %get3A_445 {offsets = [0, 0], sizes = [512, 64], strides = [1, 1]} : vector<512x128xf32> to vector<512x64xf32>
    %add3A_447 = arith.addf %add3A_9, %slice3A_446 : vector<512x64xf32>
    %max3A_448 = arith.constant 0.000000e+00 : f32
    %max3A_449 = vector.broadcast %max3A_448 : f32 to vector<512x64xf32>
    %max3A_450 = arith.maximumf %add3A_447, %max3A_449 : vector<512x64xf32>
    %get3A_451 = arith.constant 0 : index
    %get3A_452 = arith.constant 0 : index
    %get3A_453 = vector.load %arg5[%get3A_451, %get3A_452] : memref<64x64xf32, #tpu.memory_space<vmem>>, vector<64x64xf32>
    %dot_general3A_454 = arith.constant dense<0.000000e+00> : vector<512x64xf32>
    %dot_general3A_455 = tpu.matmul %max3A_450, %get3A_453, %dot_general3A_454 {dimension_numbers = #tpu.dot_dimension_numbers<[1], [0], [0], [1], [0, 0, 1, 1], [], []>, transpose_lhs_hint = false} : vector<512x64xf32>, vector<64x64xf32>, vector<512x64xf32> -> vector<512x64xf32>
    %get3A_456 = arith.constant 0 : index
    %get3A_457 = arith.constant 0 : index
    %get3A_458 = vector.load %arg6[%get3A_456, %get3A_457] : memref<1x64xf32, #tpu.memory_space<vmem>>, vector<1x64xf32>
    %add3A_459 = vector.broadcast %get3A_458 : vector<1x64xf32> to vector<512x64xf32>
    %add3A_460 = arith.addf %dot_general3A_455, %add3A_459 : vector<512x64xf32>
    %max3A_461 = arith.constant 0.000000e+00 : f32
    %max3A_462 = vector.broadcast %max3A_461 : f32 to vector<512x64xf32>
    %max3A_463 = arith.maximumf %add3A_460, %max3A_462 : vector<512x64xf32>
    %max3A_464 = arith.maximumf %max3A_440, %max3A_463 : vector<512x64xf32>
    %get3A_465 = arith.constant 19 : index
    %get3A_466 = arith.constant 0 : index
    %get3A_467 = arith.constant 0 : index
    %get3A_468 = vector.load %arg2[%get3A_465, %get3A_466, %get3A_467] : memref<20x512x128xf32, #tpu.memory_space<vmem>>, vector<1x512x128xf32>
    %get3A_469 = vector.shape_cast %get3A_468 : vector<1x512x128xf32> to vector<512x128xf32>
    %slice3A_470 = vector.extract_strided_slice %get3A_469 {offsets = [0, 0], sizes = [512, 64], strides = [1, 1]} : vector<512x128xf32> to vector<512x64xf32>
    %add3A_471 = arith.addf %add3A_9, %slice3A_470 : vector<512x64xf32>
    %max3A_472 = arith.constant 0.000000e+00 : f32
    %max3A_473 = vector.broadcast %max3A_472 : f32 to vector<512x64xf32>
    %max3A_474 = arith.maximumf %add3A_471, %max3A_473 : vector<512x64xf32>
    %get3A_475 = arith.constant 0 : index
    %get3A_476 = arith.constant 0 : index
    %get3A_477 = vector.load %arg5[%get3A_475, %get3A_476] : memref<64x64xf32, #tpu.memory_space<vmem>>, vector<64x64xf32>
    %dot_general3A_478 = arith.constant dense<0.000000e+00> : vector<512x64xf32>
    %dot_general3A_479 = tpu.matmul %max3A_474, %get3A_477, %dot_general3A_478 {dimension_numbers = #tpu.dot_dimension_numbers<[1], [0], [0], [1], [0, 0, 1, 1], [], []>, transpose_lhs_hint = false} : vector<512x64xf32>, vector<64x64xf32>, vector<512x64xf32> -> vector<512x64xf32>
    %get3A_480 = arith.constant 0 : index
    %get3A_481 = arith.constant 0 : index
    %get3A_482 = vector.load %arg6[%get3A_480, %get3A_481] : memref<1x64xf32, #tpu.memory_space<vmem>>, vector<1x64xf32>
    %add3A_483 = vector.broadcast %get3A_482 : vector<1x64xf32> to vector<512x64xf32>
    %add3A_484 = arith.addf %dot_general3A_479, %add3A_483 : vector<512x64xf32>
    %max3A_485 = arith.constant 0.000000e+00 : f32
    %max3A_486 = vector.broadcast %max3A_485 : f32 to vector<512x64xf32>
    %max3A_487 = arith.maximumf %add3A_484, %max3A_486 : vector<512x64xf32>
    %max3A_488 = arith.maximumf %max3A_464, %max3A_487 : vector<512x64xf32>
    %swap3A = arith.constant 0 : index
    %swap3A_489 = arith.constant 0 : index
    %swap3A_490 = vector.load %arg7[%swap3A, %swap3A_489] : memref<512x64xf32, #tpu.memory_space<vmem>>, vector<512x64xf32>
    tpu.vector_store %arg7[%swap3A, %swap3A_489], %max3A_488 {strides = array<i32>} : memref<512x64xf32, #tpu.memory_space<vmem>>, vector<512x64xf32>,
    return
  }
  func.func @transform_0(%arg0: i32) -> (i32, i32) {
    %c0_i32 = arith.constant 0 : i32
    %c0_i32_0 = arith.constant 0 : i32
    return %arg0, %c0_i32 : i32, i32
  }
  func.func @transform_1(%arg0: i32) -> (i32, i32, i32) {
    %c0_i32 = arith.constant 0 : i32
    %c0_i32_0 = arith.constant 0 : i32
    %c0_i32_1 = arith.constant 0 : i32
    return %c0_i32, %arg0, %c0_i32_0 : i32, i32, i32
  }
  func.func @transform_2(%arg0: i32) -> (i32, i32) {
    %c0_i32 = arith.constant 0 : i32
    %c0_i32_0 = arith.constant 0 : i32
    %c0_i32_1 = arith.constant 0 : i32
    return %c0_i32, %c0_i32_0 : i32, i32
  }
  func.func @transform_3(%arg0: i32) -> (i32, i32) {
    %c0_i32 = arith.constant 0 : i32
    %c0_i32_0 = arith.constant 0 : i32
    %c0_i32_1 = arith.constant 0 : i32
    return %c0_i32, %c0_i32_0 : i32, i32
  }
  func.func @transform_4(%arg0: i32) -> (i32, i32) {
    %c0_i32 = arith.constant 0 : i32
    %c0_i32_0 = arith.constant 0 : i32
    %c0_i32_1 = arith.constant 0 : i32
    return %c0_i32, %c0_i32_0 : i32, i32
  }
  func.func @transform_5(%arg0: i32) -> (i32, i32) {
    %c0_i32 = arith.constant 0 : i32
    %c0_i32_0 = arith.constant 0 : i32
    %c0_i32_1 = arith.constant 0 : i32
    return %c0_i32, %c0_i32_0 : i32, i32
  }
  func.func @transform_6(%arg0: i32) -> (i32, i32) {
    %c0_i32 = arith.constant 0 : i32
    %c0_i32_0 = arith.constant 0 : i32
    return %arg0, %c0_i32 : i32, i32
  }
}

module attributes {stable_mosaic.version = 14 : i64} {
  func.func @_knn_body(%arg0: i32, %arg1: memref<128x64xf32, #tpu.memory_space<vmem>>, %arg2: memref<64x8192xf32, #tpu.memory_space<vmem>>, %arg3: memref<128x128xi32, #tpu.memory_space<vmem>>, %arg4: memref<1x8192xi32, #tpu.memory_space<vmem>>, %arg5: memref<128x32xi32, #tpu.memory_space<vmem>>, %arg6: memref<128x8192xf32, #tpu.memory_space<vmem>>) attributes {dimension_semantics = [#tpu.dimension_semantics<arbitrary>], iteration_bounds = array<i64: 64>, scalar_prefetch = 0 : i64, scratch_operands = 1 : i64, tpu.core_type = #tpu.core_type<tc>, window_params = [{transform_indices = @transform_0, window_bounds = array<i64: 128, 64>}, {pipeline_mode = #tpu.pipeline_mode<synchronous>, transform_indices = @transform_1, window_bounds = array<i64: 64, 8192>}, {transform_indices = @transform_2, window_bounds = array<i64: 128, 128>}, {pipeline_mode = #tpu.pipeline_mode<synchronous>, transform_indices = @transform_3, window_bounds = array<i64: 1, 8192>}, {transform_indices = @transform_4, window_bounds = array<i64: 128, 32>}]} {
    %get3A = arith.constant 0 : index
    %get3A_0 = arith.constant 0 : index
    %get3A_1 = vector.load %arg1[%get3A, %get3A_0] : memref<128x64xf32, #tpu.memory_space<vmem>>, vector<128x64xf32>
    %get3A_2 = arith.constant 0 : index
    %get3A_3 = arith.constant 0 : index
    %get3A_4 = vector.load %arg2[%get3A_2, %get3A_3] : memref<64x8192xf32, #tpu.memory_space<vmem>>, vector<64x8192xf32>
    %mul3A = arith.mulf %get3A_1, %get3A_1 : vector<128x64xf32>
    %reduce_sum3A = arith.constant dense<0.000000e+00> : vector<128xf32>
    %reduce_sum3A_5 = vector.multi_reduction <add>, %mul3A, %reduce_sum3A [1] : vector<128x64xf32> to vector<128xf32>
    %broadcast_in_dim3A = vector.shape_cast %reduce_sum3A_5 : vector<128xf32> to vector<128x1xf32>
    %mul3A_6 = arith.mulf %get3A_4, %get3A_4 : vector<64x8192xf32>
    %reduce_sum3A_7 = arith.constant dense<0.000000e+00> : vector<8192xf32>
    %reduce_sum3A_8 = vector.multi_reduction <add>, %mul3A_6, %reduce_sum3A_7 [0] : vector<64x8192xf32> to vector<8192xf32>
    %broadcast_in_dim3A_9 = vector.shape_cast %reduce_sum3A_8 : vector<8192xf32> to vector<1x8192xf32>
    %dot_general3A = arith.constant dense<0.000000e+00> : vector<128x8192xf32>
    %dot_general3A_10 = tpu.matmul %get3A_1, %get3A_4, %dot_general3A {dimension_numbers = #tpu.dot_dimension_numbers<[1], [0], [0], [1], [0, 0, 1, 1], [], []>, transpose_lhs_hint = false} : vector<128x64xf32>, vector<64x8192xf32>, vector<128x8192xf32> -> vector<128x8192xf32>
    %add3A = vector.broadcast %broadcast_in_dim3A : vector<128x1xf32> to vector<128x8192xf32>
    %add3A_11 = vector.broadcast %broadcast_in_dim3A_9 : vector<1x8192xf32> to vector<128x8192xf32>
    %add3A_12 = arith.addf %add3A, %add3A_11 : vector<128x8192xf32>
    %mul3A_13 = arith.constant 2.000000e+00 : f32
    %mul3A_14 = vector.broadcast %mul3A_13 : f32 to vector<128x8192xf32>
    %mul3A_15 = arith.mulf %mul3A_14, %dot_general3A_10 : vector<128x8192xf32>
    %sub3A = arith.subf %add3A_12, %mul3A_15 : vector<128x8192xf32>
    %get3A_16 = arith.constant 0 : index
    %get3A_17 = arith.constant 0 : index
    %get3A_18 = vector.load %arg3[%get3A_16, %get3A_17] : memref<128x128xi32, #tpu.memory_space<vmem>>, vector<128x1xi32>
    %get3A_19 = arith.constant 0 : index
    %get3A_20 = arith.constant 0 : index
    %get3A_21 = vector.load %arg4[%get3A_19, %get3A_20] : memref<1x8192xi32, #tpu.memory_space<vmem>>, vector<1x8192xi32>
    %ne3A = vector.broadcast %get3A_18 : vector<128x1xi32> to vector<128x8192xi32>
    %ne3A_22 = vector.broadcast %get3A_21 : vector<1x8192xi32> to vector<128x8192xi32>
    %ne3A_23 = arith.cmpi ne, %ne3A, %ne3A_22 : vector<128x8192xi32>
    %jit3A = arith.constant 1.000000e+10 : f32
    %broadcast_in_dim3A_24 = vector.broadcast %jit3A : f32 to vector<128x8192xf32>
    %select_n3A = arith.select %ne3A_23, %broadcast_in_dim3A_24, %sub3A : vector<128x8192xi1>, vector<128x8192xf32>
    %swap3A = arith.constant 0 : index
    %swap3A_25 = arith.constant 0 : index
    %swap3A_26 = vector.load %arg6[%swap3A, %swap3A_25] : memref<128x8192xf32, #tpu.memory_space<vmem>>, vector<128x8192xf32>
    tpu.vector_store %arg6[%swap3A, %swap3A_25], %select_n3A {strides = array<i32>} : memref<128x8192xf32, #tpu.memory_space<vmem>>, vector<128x8192xf32>,
    %iota3A = tpu.iota {dimensions = array<i32: 1>} : vector<128x8192xi32>
    %iota3A_27 = tpu.iota {dimensions = array<i32: 1>} : vector<128x32xi32>
    %broadcast_in_dim3A_28 = arith.constant 0 : i32
    %broadcast_in_dim3A_29 = vector.broadcast %broadcast_in_dim3A_28 : i32 to vector<128x32xi32>
    %scan3A = arith.constant 0 : i32
    %scan3A_30 = arith.constant 20 : i32
    %scan3A_31 = arith.addi %scan3A, %scan3A_30 : i32
    %scan3A_32 = arith.constant 1 : i32
    %scan3A_33 = scf.for %scan3A_38 = %scan3A to %scan3A_31 step %scan3A_32 iter_args(%scan3A_39 = %broadcast_in_dim3A_29) -> (vector<128x32xi32>)  : i32 {
      %get3A_40 = arith.constant 0 : index
      %get3A_41 = arith.constant 0 : index
      %get3A_42 = vector.load %arg6[%get3A_40, %get3A_41] : memref<128x8192xf32, #tpu.memory_space<vmem>>, vector<128x8192xf32>
      %reduce_min3A = arith.constant dense<0x7F800000> : vector<128xf32>
      %reduce_min3A_43 = vector.multi_reduction <minimumf>, %get3A_42, %reduce_min3A [1] : vector<128x8192xf32> to vector<128xf32>
      %broadcast_in_dim3A_44 = vector.shape_cast %reduce_min3A_43 : vector<128xf32> to vector<128x1xf32>
      %eq3A = vector.broadcast %broadcast_in_dim3A_44 : vector<128x1xf32> to vector<128x8192xf32>
      %eq3A_45 = arith.cmpf oeq, %get3A_42, %eq3A : vector<128x8192xf32>
      %jit3A_46 = arith.constant 1073741824 : i32
      %broadcast_in_dim3A_47 = vector.broadcast %jit3A_46 : i32 to vector<128x8192xi32>
      %select_n3A_48 = arith.select %eq3A_45, %iota3A, %broadcast_in_dim3A_47 : vector<128x8192xi1>, vector<128x8192xi32>
      %reduce_min3A_49 = arith.constant dense<2147483647> : vector<128xi32>
      %reduce_min3A_50 = vector.multi_reduction <minsi>, %select_n3A_48, %reduce_min3A_49 [1] : vector<128x8192xi32> to vector<128xi32>
      %broadcast_in_dim3A_51 = vector.shape_cast %reduce_min3A_50 : vector<128xi32> to vector<128x1xi32>
      %eq3A_52 = vector.broadcast %broadcast_in_dim3A_51 : vector<128x1xi32> to vector<128x8192xi32>
      %eq3A_53 = arith.cmpi eq, %iota3A, %eq3A_52 : vector<128x8192xi32>
      %jit3A_54 = arith.constant 3.000000e+38 : f32
      %broadcast_in_dim3A_55 = vector.broadcast %jit3A_54 : f32 to vector<128x8192xf32>
      %select_n3A_56 = arith.select %eq3A_53, %broadcast_in_dim3A_55, %get3A_42 : vector<128x8192xi1>, vector<128x8192xf32>
      %swap3A_57 = arith.constant 0 : index
      %swap3A_58 = arith.constant 0 : index
      %swap3A_59 = vector.load %arg6[%swap3A_57, %swap3A_58] : memref<128x8192xf32, #tpu.memory_space<vmem>>, vector<128x8192xf32>
      tpu.vector_store %arg6[%swap3A_57, %swap3A_58], %select_n3A_56 {strides = array<i32>} : memref<128x8192xf32, #tpu.memory_space<vmem>>, vector<128x8192xf32>,
      %eq3A_60 = vector.broadcast %scan3A_38 : i32 to vector<128x32xi32>
      %eq3A_61 = arith.cmpi eq, %iota3A_27, %eq3A_60 : vector<128x32xi32>
      %broadcast_in_dim3A_62 = vector.shape_cast %broadcast_in_dim3A_51 : vector<128x1xi32> to vector<128x1xi32>
      %broadcast_in_dim3A_63 = vector.broadcast %broadcast_in_dim3A_62 : vector<128x1xi32> to vector<128x32xi32>
      %select_n3A_64 = arith.select %eq3A_61, %broadcast_in_dim3A_63, %scan3A_39 : vector<128x32xi1>, vector<128x32xi32>
      scf.yield %select_n3A_64 : vector<128x32xi32>
    }
    %scan3A_34 = arith.constant 20 : i32
    %swap3A_35 = arith.constant 0 : index
    %swap3A_36 = arith.constant 0 : index
    %swap3A_37 = vector.load %arg5[%swap3A_35, %swap3A_36] : memref<128x32xi32, #tpu.memory_space<vmem>>, vector<128x32xi32>
    tpu.vector_store %arg5[%swap3A_35, %swap3A_36], %scan3A_33 {strides = array<i32>} : memref<128x32xi32, #tpu.memory_space<vmem>>, vector<128x32xi32>,
    return
  }
  func.func @transform_0(%arg0: i32) -> (i32, i32) {
    %c0_i32 = arith.constant 0 : i32
    %c0_i32_0 = arith.constant 0 : i32
    return %arg0, %c0_i32 : i32, i32
  }
  func.func @transform_1(%arg0: i32) -> (i32, i32) {
    %c0_i32 = arith.constant 0 : i32
    %c0_i32_0 = arith.constant 0 : i32
    %c0_i32_1 = arith.constant 0 : i32
    return %c0_i32, %c0_i32_0 : i32, i32
  }
  func.func @transform_2(%arg0: i32) -> (i32, i32) {
    %c0_i32 = arith.constant 0 : i32
    %c0_i32_0 = arith.constant 0 : i32
    return %arg0, %c0_i32 : i32, i32
  }
  func.func @transform_3(%arg0: i32) -> (i32, i32) {
    %c0_i32 = arith.constant 0 : i32
    %c0_i32_0 = arith.constant 0 : i32
    %c0_i32_1 = arith.constant 0 : i32
    return %c0_i32, %c0_i32_0 : i32, i32
  }
  func.func @transform_4(%arg0: i32) -> (i32, i32) {
    %c0_i32 = arith.constant 0 : i32
    %c0_i32_0 = arith.constant 0 : i32
    return %arg0, %c0_i32 : i32, i32
  }
}

module attributes {stable_mosaic.version = 14 : i64} {
  func.func @_lin_body(%arg0: i32, %arg1: memref<1024x64xf32, #tpu.memory_space<vmem>>, %arg2: memref<64x128xf32, #tpu.memory_space<vmem>>, %arg3: memref<1x128xf32, #tpu.memory_space<vmem>>, %arg4: memref<1024x128xf32, #tpu.memory_space<vmem>>) attributes {dimension_semantics = [#tpu.dimension_semantics<arbitrary>], iteration_bounds = array<i64: 8>, scalar_prefetch = 0 : i64, scratch_operands = 0 : i64, tpu.core_type = #tpu.core_type<tc>, window_params = [{transform_indices = @transform_0, window_bounds = array<i64: 1024, 64>}, {pipeline_mode = #tpu.pipeline_mode<synchronous>, transform_indices = @transform_1, window_bounds = array<i64: 64, 128>}, {pipeline_mode = #tpu.pipeline_mode<synchronous>, transform_indices = @transform_2, window_bounds = array<i64: 1, 128>}, {transform_indices = @transform_3, window_bounds = array<i64: 1024, 128>}]} {
    %get3A = arith.constant 0 : index
    %get3A_0 = arith.constant 0 : index
    %get3A_1 = vector.load %arg1[%get3A, %get3A_0] : memref<1024x64xf32, #tpu.memory_space<vmem>>, vector<1024x64xf32>
    %get3A_2 = arith.constant 0 : index
    %get3A_3 = arith.constant 0 : index
    %get3A_4 = vector.load %arg2[%get3A_2, %get3A_3] : memref<64x128xf32, #tpu.memory_space<vmem>>, vector<64x128xf32>
    %dot_general3A = arith.constant dense<0.000000e+00> : vector<1024x128xf32>
    %dot_general3A_5 = tpu.matmul %get3A_1, %get3A_4, %dot_general3A {dimension_numbers = #tpu.dot_dimension_numbers<[1], [0], [0], [1], [0, 0, 1, 1], [], []>, transpose_lhs_hint = false} : vector<1024x64xf32>, vector<64x128xf32>, vector<1024x128xf32> -> vector<1024x128xf32>
    %get3A_6 = arith.constant 0 : index
    %get3A_7 = arith.constant 0 : index
    %get3A_8 = vector.load %arg3[%get3A_6, %get3A_7] : memref<1x128xf32, #tpu.memory_space<vmem>>, vector<1x128xf32>
    %add3A = vector.broadcast %get3A_8 : vector<1x128xf32> to vector<1024x128xf32>
    %add3A_9 = arith.addf %dot_general3A_5, %add3A : vector<1024x128xf32>
    %swap3A = arith.constant 0 : index
    %swap3A_10 = arith.constant 0 : index
    %swap3A_11 = vector.load %arg4[%swap3A, %swap3A_10] : memref<1024x128xf32, #tpu.memory_space<vmem>>, vector<1024x128xf32>
    tpu.vector_store %arg4[%swap3A, %swap3A_10], %add3A_9 {strides = array<i32>} : memref<1024x128xf32, #tpu.memory_space<vmem>>, vector<1024x128xf32>,
    return
  }
  func.func @transform_0(%arg0: i32) -> (i32, i32) {
    %c0_i32 = arith.constant 0 : i32
    %c0_i32_0 = arith.constant 0 : i32
    return %arg0, %c0_i32 : i32, i32
  }
  func.func @transform_1(%arg0: i32) -> (i32, i32) {
    %c0_i32 = arith.constant 0 : i32
    %c0_i32_0 = arith.constant 0 : i32
    %c0_i32_1 = arith.constant 0 : i32
    return %c0_i32, %c0_i32_0 : i32, i32
  }
  func.func @transform_2(%arg0: i32) -> (i32, i32) {
    %c0_i32 = arith.constant 0 : i32
    %c0_i32_0 = arith.constant 0 : i32
    %c0_i32_1 = arith.constant 0 : i32
    return %c0_i32, %c0_i32_0 : i32, i32
  }
  func.func @transform_3(%arg0: i32) -> (i32, i32) {
    %c0_i32 = arith.constant 0 : i32
    %c0_i32_0 = arith.constant 0 : i32
    return %arg0, %c0_i32 : i32, i32
  }
}

module attributes {stable_mosaic.version = 14 : i64} {
  func.func @_conv2_body(%arg0: i32, %arg1: memref<512x128xf32, #tpu.memory_space<vmem>>, %arg2: memref<20x512x128xf32, #tpu.memory_space<vmem>>, %arg3: memref<512x128xf32, #tpu.memory_space<vmem>>) attributes {dimension_semantics = [#tpu.dimension_semantics<arbitrary>], iteration_bounds = array<i64: 16>, scalar_prefetch = 0 : i64, scratch_operands = 0 : i64, tpu.core_type = #tpu.core_type<tc>, window_params = [{transform_indices = @transform_0, window_bounds = array<i64: 512, 128>}, {transform_indices = @transform_1, window_bounds = array<i64: 20, 512, 128>}, {transform_indices = @transform_2, window_bounds = array<i64: 512, 128>}]} {
    %get3A = arith.constant 0 : index
    %get3A_0 = arith.constant 0 : index
    %get3A_1 = vector.load %arg1[%get3A, %get3A_0] : memref<512x128xf32, #tpu.memory_space<vmem>>, vector<512x128xf32>
    %broadcast_in_dim3A = arith.constant 0.000000e+00 : f32
    %broadcast_in_dim3A_2 = vector.broadcast %broadcast_in_dim3A : f32 to vector<512x128xf32>
    %get3A_3 = arith.constant 0 : index
    %get3A_4 = arith.constant 0 : index
    %get3A_5 = arith.constant 0 : index
    %get3A_6 = vector.load %arg2[%get3A_3, %get3A_4, %get3A_5] : memref<20x512x128xf32, #tpu.memory_space<vmem>>, vector<1x512x128xf32>
    %get3A_7 = vector.shape_cast %get3A_6 : vector<1x512x128xf32> to vector<512x128xf32>
    %add3A = arith.addf %get3A_1, %get3A_7 : vector<512x128xf32>
    %max3A = arith.constant 0.000000e+00 : f32
    %max3A_8 = vector.broadcast %max3A : f32 to vector<512x128xf32>
    %max3A_9 = arith.maximumf %add3A, %max3A_8 : vector<512x128xf32>
    %max3A_10 = arith.maximumf %broadcast_in_dim3A_2, %max3A_9 : vector<512x128xf32>
    %get3A_11 = arith.constant 1 : index
    %get3A_12 = arith.constant 0 : index
    %get3A_13 = arith.constant 0 : index
    %get3A_14 = vector.load %arg2[%get3A_11, %get3A_12, %get3A_13] : memref<20x512x128xf32, #tpu.memory_space<vmem>>, vector<1x512x128xf32>
    %get3A_15 = vector.shape_cast %get3A_14 : vector<1x512x128xf32> to vector<512x128xf32>
    %add3A_16 = arith.addf %get3A_1, %get3A_15 : vector<512x128xf32>
    %max3A_17 = arith.constant 0.000000e+00 : f32
    %max3A_18 = vector.broadcast %max3A_17 : f32 to vector<512x128xf32>
    %max3A_19 = arith.maximumf %add3A_16, %max3A_18 : vector<512x128xf32>
    %max3A_20 = arith.maximumf %max3A_10, %max3A_19 : vector<512x128xf32>
    %get3A_21 = arith.constant 2 : index
    %get3A_22 = arith.constant 0 : index
    %get3A_23 = arith.constant 0 : index
    %get3A_24 = vector.load %arg2[%get3A_21, %get3A_22, %get3A_23] : memref<20x512x128xf32, #tpu.memory_space<vmem>>, vector<1x512x128xf32>
    %get3A_25 = vector.shape_cast %get3A_24 : vector<1x512x128xf32> to vector<512x128xf32>
    %add3A_26 = arith.addf %get3A_1, %get3A_25 : vector<512x128xf32>
    %max3A_27 = arith.constant 0.000000e+00 : f32
    %max3A_28 = vector.broadcast %max3A_27 : f32 to vector<512x128xf32>
    %max3A_29 = arith.maximumf %add3A_26, %max3A_28 : vector<512x128xf32>
    %max3A_30 = arith.maximumf %max3A_20, %max3A_29 : vector<512x128xf32>
    %get3A_31 = arith.constant 3 : index
    %get3A_32 = arith.constant 0 : index
    %get3A_33 = arith.constant 0 : index
    %get3A_34 = vector.load %arg2[%get3A_31, %get3A_32, %get3A_33] : memref<20x512x128xf32, #tpu.memory_space<vmem>>, vector<1x512x128xf32>
    %get3A_35 = vector.shape_cast %get3A_34 : vector<1x512x128xf32> to vector<512x128xf32>
    %add3A_36 = arith.addf %get3A_1, %get3A_35 : vector<512x128xf32>
    %max3A_37 = arith.constant 0.000000e+00 : f32
    %max3A_38 = vector.broadcast %max3A_37 : f32 to vector<512x128xf32>
    %max3A_39 = arith.maximumf %add3A_36, %max3A_38 : vector<512x128xf32>
    %max3A_40 = arith.maximumf %max3A_30, %max3A_39 : vector<512x128xf32>
    %get3A_41 = arith.constant 4 : index
    %get3A_42 = arith.constant 0 : index
    %get3A_43 = arith.constant 0 : index
    %get3A_44 = vector.load %arg2[%get3A_41, %get3A_42, %get3A_43] : memref<20x512x128xf32, #tpu.memory_space<vmem>>, vector<1x512x128xf32>
    %get3A_45 = vector.shape_cast %get3A_44 : vector<1x512x128xf32> to vector<512x128xf32>
    %add3A_46 = arith.addf %get3A_1, %get3A_45 : vector<512x128xf32>
    %max3A_47 = arith.constant 0.000000e+00 : f32
    %max3A_48 = vector.broadcast %max3A_47 : f32 to vector<512x128xf32>
    %max3A_49 = arith.maximumf %add3A_46, %max3A_48 : vector<512x128xf32>
    %max3A_50 = arith.maximumf %max3A_40, %max3A_49 : vector<512x128xf32>
    %get3A_51 = arith.constant 5 : index
    %get3A_52 = arith.constant 0 : index
    %get3A_53 = arith.constant 0 : index
    %get3A_54 = vector.load %arg2[%get3A_51, %get3A_52, %get3A_53] : memref<20x512x128xf32, #tpu.memory_space<vmem>>, vector<1x512x128xf32>
    %get3A_55 = vector.shape_cast %get3A_54 : vector<1x512x128xf32> to vector<512x128xf32>
    %add3A_56 = arith.addf %get3A_1, %get3A_55 : vector<512x128xf32>
    %max3A_57 = arith.constant 0.000000e+00 : f32
    %max3A_58 = vector.broadcast %max3A_57 : f32 to vector<512x128xf32>
    %max3A_59 = arith.maximumf %add3A_56, %max3A_58 : vector<512x128xf32>
    %max3A_60 = arith.maximumf %max3A_50, %max3A_59 : vector<512x128xf32>
    %get3A_61 = arith.constant 6 : index
    %get3A_62 = arith.constant 0 : index
    %get3A_63 = arith.constant 0 : index
    %get3A_64 = vector.load %arg2[%get3A_61, %get3A_62, %get3A_63] : memref<20x512x128xf32, #tpu.memory_space<vmem>>, vector<1x512x128xf32>
    %get3A_65 = vector.shape_cast %get3A_64 : vector<1x512x128xf32> to vector<512x128xf32>
    %add3A_66 = arith.addf %get3A_1, %get3A_65 : vector<512x128xf32>
    %max3A_67 = arith.constant 0.000000e+00 : f32
    %max3A_68 = vector.broadcast %max3A_67 : f32 to vector<512x128xf32>
    %max3A_69 = arith.maximumf %add3A_66, %max3A_68 : vector<512x128xf32>
    %max3A_70 = arith.maximumf %max3A_60, %max3A_69 : vector<512x128xf32>
    %get3A_71 = arith.constant 7 : index
    %get3A_72 = arith.constant 0 : index
    %get3A_73 = arith.constant 0 : index
    %get3A_74 = vector.load %arg2[%get3A_71, %get3A_72, %get3A_73] : memref<20x512x128xf32, #tpu.memory_space<vmem>>, vector<1x512x128xf32>
    %get3A_75 = vector.shape_cast %get3A_74 : vector<1x512x128xf32> to vector<512x128xf32>
    %add3A_76 = arith.addf %get3A_1, %get3A_75 : vector<512x128xf32>
    %max3A_77 = arith.constant 0.000000e+00 : f32
    %max3A_78 = vector.broadcast %max3A_77 : f32 to vector<512x128xf32>
    %max3A_79 = arith.maximumf %add3A_76, %max3A_78 : vector<512x128xf32>
    %max3A_80 = arith.maximumf %max3A_70, %max3A_79 : vector<512x128xf32>
    %get3A_81 = arith.constant 8 : index
    %get3A_82 = arith.constant 0 : index
    %get3A_83 = arith.constant 0 : index
    %get3A_84 = vector.load %arg2[%get3A_81, %get3A_82, %get3A_83] : memref<20x512x128xf32, #tpu.memory_space<vmem>>, vector<1x512x128xf32>
    %get3A_85 = vector.shape_cast %get3A_84 : vector<1x512x128xf32> to vector<512x128xf32>
    %add3A_86 = arith.addf %get3A_1, %get3A_85 : vector<512x128xf32>
    %max3A_87 = arith.constant 0.000000e+00 : f32
    %max3A_88 = vector.broadcast %max3A_87 : f32 to vector<512x128xf32>
    %max3A_89 = arith.maximumf %add3A_86, %max3A_88 : vector<512x128xf32>
    %max3A_90 = arith.maximumf %max3A_80, %max3A_89 : vector<512x128xf32>
    %get3A_91 = arith.constant 9 : index
    %get3A_92 = arith.constant 0 : index
    %get3A_93 = arith.constant 0 : index
    %get3A_94 = vector.load %arg2[%get3A_91, %get3A_92, %get3A_93] : memref<20x512x128xf32, #tpu.memory_space<vmem>>, vector<1x512x128xf32>
    %get3A_95 = vector.shape_cast %get3A_94 : vector<1x512x128xf32> to vector<512x128xf32>
    %add3A_96 = arith.addf %get3A_1, %get3A_95 : vector<512x128xf32>
    %max3A_97 = arith.constant 0.000000e+00 : f32
    %max3A_98 = vector.broadcast %max3A_97 : f32 to vector<512x128xf32>
    %max3A_99 = arith.maximumf %add3A_96, %max3A_98 : vector<512x128xf32>
    %max3A_100 = arith.maximumf %max3A_90, %max3A_99 : vector<512x128xf32>
    %get3A_101 = arith.constant 10 : index
    %get3A_102 = arith.constant 0 : index
    %get3A_103 = arith.constant 0 : index
    %get3A_104 = vector.load %arg2[%get3A_101, %get3A_102, %get3A_103] : memref<20x512x128xf32, #tpu.memory_space<vmem>>, vector<1x512x128xf32>
    %get3A_105 = vector.shape_cast %get3A_104 : vector<1x512x128xf32> to vector<512x128xf32>
    %add3A_106 = arith.addf %get3A_1, %get3A_105 : vector<512x128xf32>
    %max3A_107 = arith.constant 0.000000e+00 : f32
    %max3A_108 = vector.broadcast %max3A_107 : f32 to vector<512x128xf32>
    %max3A_109 = arith.maximumf %add3A_106, %max3A_108 : vector<512x128xf32>
    %max3A_110 = arith.maximumf %max3A_100, %max3A_109 : vector<512x128xf32>
    %get3A_111 = arith.constant 11 : index
    %get3A_112 = arith.constant 0 : index
    %get3A_113 = arith.constant 0 : index
    %get3A_114 = vector.load %arg2[%get3A_111, %get3A_112, %get3A_113] : memref<20x512x128xf32, #tpu.memory_space<vmem>>, vector<1x512x128xf32>
    %get3A_115 = vector.shape_cast %get3A_114 : vector<1x512x128xf32> to vector<512x128xf32>
    %add3A_116 = arith.addf %get3A_1, %get3A_115 : vector<512x128xf32>
    %max3A_117 = arith.constant 0.000000e+00 : f32
    %max3A_118 = vector.broadcast %max3A_117 : f32 to vector<512x128xf32>
    %max3A_119 = arith.maximumf %add3A_116, %max3A_118 : vector<512x128xf32>
    %max3A_120 = arith.maximumf %max3A_110, %max3A_119 : vector<512x128xf32>
    %get3A_121 = arith.constant 12 : index
    %get3A_122 = arith.constant 0 : index
    %get3A_123 = arith.constant 0 : index
    %get3A_124 = vector.load %arg2[%get3A_121, %get3A_122, %get3A_123] : memref<20x512x128xf32, #tpu.memory_space<vmem>>, vector<1x512x128xf32>
    %get3A_125 = vector.shape_cast %get3A_124 : vector<1x512x128xf32> to vector<512x128xf32>
    %add3A_126 = arith.addf %get3A_1, %get3A_125 : vector<512x128xf32>
    %max3A_127 = arith.constant 0.000000e+00 : f32
    %max3A_128 = vector.broadcast %max3A_127 : f32 to vector<512x128xf32>
    %max3A_129 = arith.maximumf %add3A_126, %max3A_128 : vector<512x128xf32>
    %max3A_130 = arith.maximumf %max3A_120, %max3A_129 : vector<512x128xf32>
    %get3A_131 = arith.constant 13 : index
    %get3A_132 = arith.constant 0 : index
    %get3A_133 = arith.constant 0 : index
    %get3A_134 = vector.load %arg2[%get3A_131, %get3A_132, %get3A_133] : memref<20x512x128xf32, #tpu.memory_space<vmem>>, vector<1x512x128xf32>
    %get3A_135 = vector.shape_cast %get3A_134 : vector<1x512x128xf32> to vector<512x128xf32>
    %add3A_136 = arith.addf %get3A_1, %get3A_135 : vector<512x128xf32>
    %max3A_137 = arith.constant 0.000000e+00 : f32
    %max3A_138 = vector.broadcast %max3A_137 : f32 to vector<512x128xf32>
    %max3A_139 = arith.maximumf %add3A_136, %max3A_138 : vector<512x128xf32>
    %max3A_140 = arith.maximumf %max3A_130, %max3A_139 : vector<512x128xf32>
    %get3A_141 = arith.constant 14 : index
    %get3A_142 = arith.constant 0 : index
    %get3A_143 = arith.constant 0 : index
    %get3A_144 = vector.load %arg2[%get3A_141, %get3A_142, %get3A_143] : memref<20x512x128xf32, #tpu.memory_space<vmem>>, vector<1x512x128xf32>
    %get3A_145 = vector.shape_cast %get3A_144 : vector<1x512x128xf32> to vector<512x128xf32>
    %add3A_146 = arith.addf %get3A_1, %get3A_145 : vector<512x128xf32>
    %max3A_147 = arith.constant 0.000000e+00 : f32
    %max3A_148 = vector.broadcast %max3A_147 : f32 to vector<512x128xf32>
    %max3A_149 = arith.maximumf %add3A_146, %max3A_148 : vector<512x128xf32>
    %max3A_150 = arith.maximumf %max3A_140, %max3A_149 : vector<512x128xf32>
    %get3A_151 = arith.constant 15 : index
    %get3A_152 = arith.constant 0 : index
    %get3A_153 = arith.constant 0 : index
    %get3A_154 = vector.load %arg2[%get3A_151, %get3A_152, %get3A_153] : memref<20x512x128xf32, #tpu.memory_space<vmem>>, vector<1x512x128xf32>
    %get3A_155 = vector.shape_cast %get3A_154 : vector<1x512x128xf32> to vector<512x128xf32>
    %add3A_156 = arith.addf %get3A_1, %get3A_155 : vector<512x128xf32>
    %max3A_157 = arith.constant 0.000000e+00 : f32
    %max3A_158 = vector.broadcast %max3A_157 : f32 to vector<512x128xf32>
    %max3A_159 = arith.maximumf %add3A_156, %max3A_158 : vector<512x128xf32>
    %max3A_160 = arith.maximumf %max3A_150, %max3A_159 : vector<512x128xf32>
    %get3A_161 = arith.constant 16 : index
    %get3A_162 = arith.constant 0 : index
    %get3A_163 = arith.constant 0 : index
    %get3A_164 = vector.load %arg2[%get3A_161, %get3A_162, %get3A_163] : memref<20x512x128xf32, #tpu.memory_space<vmem>>, vector<1x512x128xf32>
    %get3A_165 = vector.shape_cast %get3A_164 : vector<1x512x128xf32> to vector<512x128xf32>
    %add3A_166 = arith.addf %get3A_1, %get3A_165 : vector<512x128xf32>
    %max3A_167 = arith.constant 0.000000e+00 : f32
    %max3A_168 = vector.broadcast %max3A_167 : f32 to vector<512x128xf32>
    %max3A_169 = arith.maximumf %add3A_166, %max3A_168 : vector<512x128xf32>
    %max3A_170 = arith.maximumf %max3A_160, %max3A_169 : vector<512x128xf32>
    %get3A_171 = arith.constant 17 : index
    %get3A_172 = arith.constant 0 : index
    %get3A_173 = arith.constant 0 : index
    %get3A_174 = vector.load %arg2[%get3A_171, %get3A_172, %get3A_173] : memref<20x512x128xf32, #tpu.memory_space<vmem>>, vector<1x512x128xf32>
    %get3A_175 = vector.shape_cast %get3A_174 : vector<1x512x128xf32> to vector<512x128xf32>
    %add3A_176 = arith.addf %get3A_1, %get3A_175 : vector<512x128xf32>
    %max3A_177 = arith.constant 0.000000e+00 : f32
    %max3A_178 = vector.broadcast %max3A_177 : f32 to vector<512x128xf32>
    %max3A_179 = arith.maximumf %add3A_176, %max3A_178 : vector<512x128xf32>
    %max3A_180 = arith.maximumf %max3A_170, %max3A_179 : vector<512x128xf32>
    %get3A_181 = arith.constant 18 : index
    %get3A_182 = arith.constant 0 : index
    %get3A_183 = arith.constant 0 : index
    %get3A_184 = vector.load %arg2[%get3A_181, %get3A_182, %get3A_183] : memref<20x512x128xf32, #tpu.memory_space<vmem>>, vector<1x512x128xf32>
    %get3A_185 = vector.shape_cast %get3A_184 : vector<1x512x128xf32> to vector<512x128xf32>
    %add3A_186 = arith.addf %get3A_1, %get3A_185 : vector<512x128xf32>
    %max3A_187 = arith.constant 0.000000e+00 : f32
    %max3A_188 = vector.broadcast %max3A_187 : f32 to vector<512x128xf32>
    %max3A_189 = arith.maximumf %add3A_186, %max3A_188 : vector<512x128xf32>
    %max3A_190 = arith.maximumf %max3A_180, %max3A_189 : vector<512x128xf32>
    %get3A_191 = arith.constant 19 : index
    %get3A_192 = arith.constant 0 : index
    %get3A_193 = arith.constant 0 : index
    %get3A_194 = vector.load %arg2[%get3A_191, %get3A_192, %get3A_193] : memref<20x512x128xf32, #tpu.memory_space<vmem>>, vector<1x512x128xf32>
    %get3A_195 = vector.shape_cast %get3A_194 : vector<1x512x128xf32> to vector<512x128xf32>
    %add3A_196 = arith.addf %get3A_1, %get3A_195 : vector<512x128xf32>
    %max3A_197 = arith.constant 0.000000e+00 : f32
    %max3A_198 = vector.broadcast %max3A_197 : f32 to vector<512x128xf32>
    %max3A_199 = arith.maximumf %add3A_196, %max3A_198 : vector<512x128xf32>
    %max3A_200 = arith.maximumf %max3A_190, %max3A_199 : vector<512x128xf32>
    %swap3A = arith.constant 0 : index
    %swap3A_201 = arith.constant 0 : index
    %swap3A_202 = vector.load %arg3[%swap3A, %swap3A_201] : memref<512x128xf32, #tpu.memory_space<vmem>>, vector<512x128xf32>
    tpu.vector_store %arg3[%swap3A, %swap3A_201], %max3A_200 {strides = array<i32>} : memref<512x128xf32, #tpu.memory_space<vmem>>, vector<512x128xf32>,
    return
  }
  func.func @transform_0(%arg0: i32) -> (i32, i32) {
    %c0_i32 = arith.constant 0 : i32
    %c0_i32_0 = arith.constant 0 : i32
    return %arg0, %c0_i32 : i32, i32
  }
  func.func @transform_1(%arg0: i32) -> (i32, i32, i32) {
    %c0_i32 = arith.constant 0 : i32
    %c0_i32_0 = arith.constant 0 : i32
    %c0_i32_1 = arith.constant 0 : i32
    return %c0_i32, %arg0, %c0_i32_0 : i32, i32, i32
  }
  func.func @transform_2(%arg0: i32) -> (i32, i32) {
    %c0_i32 = arith.constant 0 : i32
    %c0_i32_0 = arith.constant 0 : i32
    return %arg0, %c0_i32 : i32, i32
  }
}

module attributes {stable_mosaic.version = 14 : i64} {
  func.func @_final_body(%arg0: i32, %arg1: memref<512x64xf32, #tpu.memory_space<vmem>>, %arg2: memref<512x128xf32, #tpu.memory_space<vmem>>, %arg3: memref<512x128xi32, #tpu.memory_space<vmem>>, %arg4: memref<64x512xf32, #tpu.memory_space<vmem>>, %arg5: memref<128x512xf32, #tpu.memory_space<vmem>>, %arg6: memref<1x512xf32, #tpu.memory_space<vmem>>, %arg7: memref<512x512xf32, #tpu.memory_space<vmem>>, %arg8: memref<512x512xf32, #tpu.memory_space<vmem>>, %arg9: memref<1x512xf32, #tpu.memory_space<vmem>>, %arg10: memref<512x256xf32, #tpu.memory_space<vmem>>, %arg11: memref<1x256xf32, #tpu.memory_space<vmem>>, %arg12: memref<256x10xf32, #tpu.memory_space<vmem>>, %arg13: memref<1x10xf32, #tpu.memory_space<vmem>>, %arg14: memref<8x10xf32, #tpu.memory_space<vmem>>, %arg15: memref<8x512xf32, #tpu.memory_space<vmem>>, %arg16: memref<8x512xf32, #tpu.memory_space<vmem>>, %arg17: memref<8x128xf32, #tpu.memory_space<vmem>>) attributes {dimension_semantics = [#tpu.dimension_semantics<arbitrary>], iteration_bounds = array<i64: 16>, scalar_prefetch = 0 : i64, scratch_operands = 3 : i64, tpu.core_type = #tpu.core_type<tc>, window_params = [{transform_indices = @transform_0, window_bounds = array<i64: 512, 64>}, {transform_indices = @transform_1, window_bounds = array<i64: 512, 128>}, {transform_indices = @transform_2, window_bounds = array<i64: 512, 128>}, {pipeline_mode = #tpu.pipeline_mode<synchronous>, transform_indices = @transform_3, window_bounds = array<i64: 64, 512>}, {pipeline_mode = #tpu.pipeline_mode<synchronous>, transform_indices = @transform_4, window_bounds = array<i64: 128, 512>}, {pipeline_mode = #tpu.pipeline_mode<synchronous>, transform_indices = @transform_5, window_bounds = array<i64: 1, 512>}, {pipeline_mode = #tpu.pipeline_mode<synchronous>, transform_indices = @transform_6, window_bounds = array<i64: 512, 512>}, {pipeline_mode = #tpu.pipeline_mode<synchronous>, transform_indices = @transform_7, window_bounds = array<i64: 512, 512>}, {pipeline_mode = #tpu.pipeline_mode<synchronous>, transform_indices = @transform_8, window_bounds = array<i64: 1, 512>}, {pipeline_mode = #tpu.pipeline_mode<synchronous>, transform_indices = @transform_9, window_bounds = array<i64: 512, 256>}, {pipeline_mode = #tpu.pipeline_mode<synchronous>, transform_indices = @transform_10, window_bounds = array<i64: 1, 256>}, {pipeline_mode = #tpu.pipeline_mode<synchronous>, transform_indices = @transform_11, window_bounds = array<i64: 256, 10>}, {pipeline_mode = #tpu.pipeline_mode<synchronous>, transform_indices = @transform_12, window_bounds = array<i64: 1, 10>}, {pipeline_mode = #tpu.pipeline_mode<synchronous>, transform_indices = @transform_13, window_bounds = array<i64: 8, 10>}]} {
    %eq3A = arith.constant 0 : i32
    %eq3A_0 = arith.cmpi eq, %arg0, %eq3A : i32
    %convert_element_type3A = arith.extui %eq3A_0 : i1 to i32
    %cond3A = arith.constant 0 : i32
    %cond3A_1 = arith.cmpi ne, %convert_element_type3A, %cond3A : i32
    scf.if %cond3A_1 {
      %broadcast_in_dim3A_194 = arith.constant 0.000000e+00 : f32
      %broadcast_in_dim3A_195 = vector.broadcast %broadcast_in_dim3A_194 : f32 to vector<8x512xf32>
      %swap3A_196 = arith.constant 0 : index
      %swap3A_197 = arith.constant 0 : index
      %swap3A_198 = vector.load %arg15[%swap3A_196, %swap3A_197] : memref<8x512xf32, #tpu.memory_space<vmem>>, vector<8x512xf32>
      tpu.vector_store %arg15[%swap3A_196, %swap3A_197], %broadcast_in_dim3A_195 {strides = array<i32>} : memref<8x512xf32, #tpu.memory_space<vmem>>, vector<8x512xf32>,
      %broadcast_in_dim3A_199 = arith.constant -3.400000e+38 : f32
      %broadcast_in_dim3A_200 = vector.broadcast %broadcast_in_dim3A_199 : f32 to vector<8x512xf32>
      %swap3A_201 = arith.constant 0 : index
      %swap3A_202 = arith.constant 0 : index
      %swap3A_203 = vector.load %arg16[%swap3A_201, %swap3A_202] : memref<8x512xf32, #tpu.memory_space<vmem>>, vector<8x512xf32>
      tpu.vector_store %arg16[%swap3A_201, %swap3A_202], %broadcast_in_dim3A_200 {strides = array<i32>} : memref<8x512xf32, #tpu.memory_space<vmem>>, vector<8x512xf32>,
      %broadcast_in_dim3A_204 = arith.constant 0.000000e+00 : f32
      %broadcast_in_dim3A_205 = vector.broadcast %broadcast_in_dim3A_204 : f32 to vector<8x128xf32>
      %swap3A_206 = arith.constant 0 : index
      %swap3A_207 = arith.constant 0 : index
      %swap3A_208 = vector.load %arg17[%swap3A_206, %swap3A_207] : memref<8x128xf32, #tpu.memory_space<vmem>>, vector<8x128xf32>
      tpu.vector_store %arg17[%swap3A_206, %swap3A_207], %broadcast_in_dim3A_205 {strides = array<i32>} : memref<8x128xf32, #tpu.memory_space<vmem>>, vector<8x128xf32>,
    } else {
    }
    %get3A = arith.constant 0 : index
    %get3A_2 = arith.constant 0 : index
    %get3A_3 = vector.load %arg1[%get3A, %get3A_2] : memref<512x64xf32, #tpu.memory_space<vmem>>, vector<512x64xf32>
    %get3A_4 = arith.constant 0 : index
    %get3A_5 = arith.constant 0 : index
    %get3A_6 = vector.load %arg4[%get3A_4, %get3A_5] : memref<64x512xf32, #tpu.memory_space<vmem>>, vector<64x512xf32>
    %dot_general3A = arith.constant dense<0.000000e+00> : vector<512x512xf32>
    %dot_general3A_7 = tpu.matmul %get3A_3, %get3A_6, %dot_general3A {dimension_numbers = #tpu.dot_dimension_numbers<[1], [0], [0], [1], [0, 0, 1, 1], [], []>, transpose_lhs_hint = false} : vector<512x64xf32>, vector<64x512xf32>, vector<512x512xf32> -> vector<512x512xf32>
    %get3A_8 = arith.constant 0 : index
    %get3A_9 = arith.constant 0 : index
    %get3A_10 = vector.load %arg2[%get3A_8, %get3A_9] : memref<512x128xf32, #tpu.memory_space<vmem>>, vector<512x128xf32>
    %get3A_11 = arith.constant 0 : index
    %get3A_12 = arith.constant 0 : index
    %get3A_13 = vector.load %arg5[%get3A_11, %get3A_12] : memref<128x512xf32, #tpu.memory_space<vmem>>, vector<128x512xf32>
    %dot_general3A_14 = arith.constant dense<0.000000e+00> : vector<512x512xf32>
    %dot_general3A_15 = tpu.matmul %get3A_10, %get3A_13, %dot_general3A_14 {dimension_numbers = #tpu.dot_dimension_numbers<[1], [0], [0], [1], [0, 0, 1, 1], [], []>, transpose_lhs_hint = false} : vector<512x128xf32>, vector<128x512xf32>, vector<512x512xf32> -> vector<512x512xf32>
    %add3A = arith.addf %dot_general3A_7, %dot_general3A_15 : vector<512x512xf32>
    %get3A_16 = arith.constant 0 : index
    %get3A_17 = arith.constant 0 : index
    %get3A_18 = vector.load %arg6[%get3A_16, %get3A_17] : memref<1x512xf32, #tpu.memory_space<vmem>>, vector<1x512xf32>
    %add3A_19 = vector.broadcast %get3A_18 : vector<1x512xf32> to vector<512x512xf32>
    %add3A_20 = arith.addf %add3A, %add3A_19 : vector<512x512xf32>
    %max3A = arith.constant 0.000000e+00 : f32
    %max3A_21 = vector.broadcast %max3A : f32 to vector<512x512xf32>
    %max3A_22 = arith.maximumf %add3A_20, %max3A_21 : vector<512x512xf32>
    %get3A_23 = arith.constant 0 : index
    %get3A_24 = arith.constant 0 : index
    %get3A_25 = vector.load %arg3[%get3A_23, %get3A_24] : memref<512x128xi32, #tpu.memory_space<vmem>>, vector<512x1xi32>
    %iota3A = tpu.iota {dimensions = array<i32: 1>} : vector<512x8xi32>
    %eq3A_26 = vector.broadcast %get3A_25 : vector<512x1xi32> to vector<512x8xi32>
    %eq3A_27 = arith.cmpi eq, %eq3A_26, %iota3A : vector<512x8xi32>
    %convert_element_type3A_28 = arith.extui %eq3A_27 : vector<512x8xi1> to vector<512x8xi32>
    %convert_element_type3A_29 = arith.sitofp %convert_element_type3A_28 : vector<512x8xi32> to vector<512x8xf32>
    %get3A_30 = arith.constant 0 : index
    %get3A_31 = arith.constant 0 : index
    %get3A_32 = vector.load %arg15[%get3A_30, %get3A_31] : memref<8x512xf32, #tpu.memory_space<vmem>>, vector<8x512xf32>
    %dot_general3A_33 = arith.constant dense<0.000000e+00> : vector<8x512xf32>
    %dot_general3A_34 = tpu.matmul %convert_element_type3A_29, %max3A_22, %dot_general3A_33 {dimension_numbers = #tpu.dot_dimension_numbers<[0], [0], [1], [1], [0, 1, 1, 1], [], []>, transpose_lhs_hint = false} : vector<512x8xf32>, vector<512x512xf32>, vector<8x512xf32> -> vector<8x512xf32>
    %add3A_35 = arith.addf %get3A_32, %dot_general3A_34 : vector<8x512xf32>
    %swap3A = arith.constant 0 : index
    %swap3A_36 = arith.constant 0 : index
    %swap3A_37 = vector.load %arg15[%swap3A, %swap3A_36] : memref<8x512xf32, #tpu.memory_space<vmem>>, vector<8x512xf32>
    tpu.vector_store %arg15[%swap3A, %swap3A_36], %add3A_35 {strides = array<i32>} : memref<8x512xf32, #tpu.memory_space<vmem>>, vector<8x512xf32>,
    %broadcast_in_dim3A = arith.constant 1.000000e+00 : f32
    %broadcast_in_dim3A_38 = vector.broadcast %broadcast_in_dim3A : f32 to vector<512x128xf32>
    %get3A_39 = arith.constant 0 : index
    %get3A_40 = arith.constant 0 : index
    %get3A_41 = vector.load %arg17[%get3A_39, %get3A_40] : memref<8x128xf32, #tpu.memory_space<vmem>>, vector<8x128xf32>
    %dot_general3A_42 = arith.constant dense<0.000000e+00> : vector<8x128xf32>
    %dot_general3A_43 = tpu.matmul %convert_element_type3A_29, %broadcast_in_dim3A_38, %dot_general3A_42 {dimension_numbers = #tpu.dot_dimension_numbers<[0], [0], [1], [1], [0, 1, 1, 1], [], []>, transpose_lhs_hint = false} : vector<512x8xf32>, vector<512x128xf32>, vector<8x128xf32> -> vector<8x128xf32>
    %add3A_44 = arith.addf %get3A_41, %dot_general3A_43 : vector<8x128xf32>
    %swap3A_45 = arith.constant 0 : index
    %swap3A_46 = arith.constant 0 : index
    %swap3A_47 = vector.load %arg17[%swap3A_45, %swap3A_46] : memref<8x128xf32, #tpu.memory_space<vmem>>, vector<8x128xf32>
    tpu.vector_store %arg17[%swap3A_45, %swap3A_46], %add3A_44 {strides = array<i32>} : memref<8x128xf32, #tpu.memory_space<vmem>>, vector<8x128xf32>,
    %eq3A_48 = arith.constant 0 : i32
    %eq3A_49 = vector.broadcast %eq3A_48 : i32 to vector<512x1xi32>
    %eq3A_50 = arith.cmpi eq, %get3A_25, %eq3A_49 : vector<512x1xi32>
    %jit3A = arith.constant -3.400000e+38 : f32
    %broadcast_in_dim3A_51 = vector.shape_cast %eq3A_50 : vector<512x1xi1> to vector<512x1xi1>
    %broadcast_in_dim3A_52 = vector.broadcast %broadcast_in_dim3A_51 : vector<512x1xi1> to vector<512x512xi1>
    %broadcast_in_dim3A_53 = vector.broadcast %jit3A : f32 to vector<512x512xf32>
    %select_n3A = arith.select %broadcast_in_dim3A_52, %max3A_22, %broadcast_in_dim3A_53 : vector<512x512xi1>, vector<512x512xf32>
    %reduce_max3A = arith.constant dense<0xFF800000> : vector<512xf32>
    %reduce_max3A_54 = vector.multi_reduction <maximumf>, %select_n3A, %reduce_max3A [0] : vector<512x512xf32> to vector<512xf32>
    %broadcast_in_dim3A_55 = vector.shape_cast %reduce_max3A_54 : vector<512xf32> to vector<1x512xf32>
    %get3A_56 = arith.constant 0 : index
    %get3A_57 = arith.constant 0 : index
    %get3A_58 = vector.load %arg16[%get3A_56, %get3A_57] : memref<8x512xf32, #tpu.memory_space<vmem>>, vector<1x512xf32>
    %max3A_59 = arith.maximumf %get3A_58, %broadcast_in_dim3A_55 : vector<1x512xf32>
    %swap3A_60 = arith.constant 0 : index
    %swap3A_61 = arith.constant 0 : index
    %swap3A_62 = vector.load %arg16[%swap3A_60, %swap3A_61] : memref<8x512xf32, #tpu.memory_space<vmem>>, vector<1x512xf32>
    tpu.vector_store %arg16[%swap3A_60, %swap3A_61], %max3A_59 {strides = array<i32>} : memref<8x512xf32, #tpu.memory_space<vmem>>, vector<1x512xf32>,
    %eq3A_63 = arith.constant 1 : i32
    %eq3A_64 = vector.broadcast %eq3A_63 : i32 to vector<512x1xi32>
    %eq3A_65 = arith.cmpi eq, %get3A_25, %eq3A_64 : vector<512x1xi32>
    %jit3A_66 = arith.constant -3.400000e+38 : f32
    %broadcast_in_dim3A_67 = vector.shape_cast %eq3A_65 : vector<512x1xi1> to vector<512x1xi1>
    %broadcast_in_dim3A_68 = vector.broadcast %broadcast_in_dim3A_67 : vector<512x1xi1> to vector<512x512xi1>
    %broadcast_in_dim3A_69 = vector.broadcast %jit3A_66 : f32 to vector<512x512xf32>
    %select_n3A_70 = arith.select %broadcast_in_dim3A_68, %max3A_22, %broadcast_in_dim3A_69 : vector<512x512xi1>, vector<512x512xf32>
    %reduce_max3A_71 = arith.constant dense<0xFF800000> : vector<512xf32>
    %reduce_max3A_72 = vector.multi_reduction <maximumf>, %select_n3A_70, %reduce_max3A_71 [0] : vector<512x512xf32> to vector<512xf32>
    %broadcast_in_dim3A_73 = vector.shape_cast %reduce_max3A_72 : vector<512xf32> to vector<1x512xf32>
    %get3A_74 = arith.constant 1 : index
    %get3A_75 = arith.constant 0 : index
    %get3A_76 = vector.load %arg16[%get3A_74, %get3A_75] : memref<8x512xf32, #tpu.memory_space<vmem>>, vector<1x512xf32>
    %max3A_77 = arith.maximumf %get3A_76, %broadcast_in_dim3A_73 : vector<1x512xf32>
    %swap3A_78 = arith.constant 1 : index
    %swap3A_79 = arith.constant 0 : index
    %swap3A_80 = vector.load %arg16[%swap3A_78, %swap3A_79] : memref<8x512xf32, #tpu.memory_space<vmem>>, vector<1x512xf32>
    tpu.vector_store %arg16[%swap3A_78, %swap3A_79], %max3A_77 {strides = array<i32>} : memref<8x512xf32, #tpu.memory_space<vmem>>, vector<1x512xf32>,
    %eq3A_81 = arith.constant 2 : i32
    %eq3A_82 = vector.broadcast %eq3A_81 : i32 to vector<512x1xi32>
    %eq3A_83 = arith.cmpi eq, %get3A_25, %eq3A_82 : vector<512x1xi32>
    %jit3A_84 = arith.constant -3.400000e+38 : f32
    %broadcast_in_dim3A_85 = vector.shape_cast %eq3A_83 : vector<512x1xi1> to vector<512x1xi1>
    %broadcast_in_dim3A_86 = vector.broadcast %broadcast_in_dim3A_85 : vector<512x1xi1> to vector<512x512xi1>
    %broadcast_in_dim3A_87 = vector.broadcast %jit3A_84 : f32 to vector<512x512xf32>
    %select_n3A_88 = arith.select %broadcast_in_dim3A_86, %max3A_22, %broadcast_in_dim3A_87 : vector<512x512xi1>, vector<512x512xf32>
    %reduce_max3A_89 = arith.constant dense<0xFF800000> : vector<512xf32>
    %reduce_max3A_90 = vector.multi_reduction <maximumf>, %select_n3A_88, %reduce_max3A_89 [0] : vector<512x512xf32> to vector<512xf32>
    %broadcast_in_dim3A_91 = vector.shape_cast %reduce_max3A_90 : vector<512xf32> to vector<1x512xf32>
    %get3A_92 = arith.constant 2 : index
    %get3A_93 = arith.constant 0 : index
    %get3A_94 = vector.load %arg16[%get3A_92, %get3A_93] : memref<8x512xf32, #tpu.memory_space<vmem>>, vector<1x512xf32>
    %max3A_95 = arith.maximumf %get3A_94, %broadcast_in_dim3A_91 : vector<1x512xf32>
    %swap3A_96 = arith.constant 2 : index
    %swap3A_97 = arith.constant 0 : index
    %swap3A_98 = vector.load %arg16[%swap3A_96, %swap3A_97] : memref<8x512xf32, #tpu.memory_space<vmem>>, vector<1x512xf32>
    tpu.vector_store %arg16[%swap3A_96, %swap3A_97], %max3A_95 {strides = array<i32>} : memref<8x512xf32, #tpu.memory_space<vmem>>, vector<1x512xf32>,
    %eq3A_99 = arith.constant 3 : i32
    %eq3A_100 = vector.broadcast %eq3A_99 : i32 to vector<512x1xi32>
    %eq3A_101 = arith.cmpi eq, %get3A_25, %eq3A_100 : vector<512x1xi32>
    %jit3A_102 = arith.constant -3.400000e+38 : f32
    %broadcast_in_dim3A_103 = vector.shape_cast %eq3A_101 : vector<512x1xi1> to vector<512x1xi1>
    %broadcast_in_dim3A_104 = vector.broadcast %broadcast_in_dim3A_103 : vector<512x1xi1> to vector<512x512xi1>
    %broadcast_in_dim3A_105 = vector.broadcast %jit3A_102 : f32 to vector<512x512xf32>
    %select_n3A_106 = arith.select %broadcast_in_dim3A_104, %max3A_22, %broadcast_in_dim3A_105 : vector<512x512xi1>, vector<512x512xf32>
    %reduce_max3A_107 = arith.constant dense<0xFF800000> : vector<512xf32>
    %reduce_max3A_108 = vector.multi_reduction <maximumf>, %select_n3A_106, %reduce_max3A_107 [0] : vector<512x512xf32> to vector<512xf32>
    %broadcast_in_dim3A_109 = vector.shape_cast %reduce_max3A_108 : vector<512xf32> to vector<1x512xf32>
    %get3A_110 = arith.constant 3 : index
    %get3A_111 = arith.constant 0 : index
    %get3A_112 = vector.load %arg16[%get3A_110, %get3A_111] : memref<8x512xf32, #tpu.memory_space<vmem>>, vector<1x512xf32>
    %max3A_113 = arith.maximumf %get3A_112, %broadcast_in_dim3A_109 : vector<1x512xf32>
    %swap3A_114 = arith.constant 3 : index
    %swap3A_115 = arith.constant 0 : index
    %swap3A_116 = vector.load %arg16[%swap3A_114, %swap3A_115] : memref<8x512xf32, #tpu.memory_space<vmem>>, vector<1x512xf32>
    tpu.vector_store %arg16[%swap3A_114, %swap3A_115], %max3A_113 {strides = array<i32>} : memref<8x512xf32, #tpu.memory_space<vmem>>, vector<1x512xf32>,
    %eq3A_117 = arith.constant 4 : i32
    %eq3A_118 = vector.broadcast %eq3A_117 : i32 to vector<512x1xi32>
    %eq3A_119 = arith.cmpi eq, %get3A_25, %eq3A_118 : vector<512x1xi32>
    %jit3A_120 = arith.constant -3.400000e+38 : f32
    %broadcast_in_dim3A_121 = vector.shape_cast %eq3A_119 : vector<512x1xi1> to vector<512x1xi1>
    %broadcast_in_dim3A_122 = vector.broadcast %broadcast_in_dim3A_121 : vector<512x1xi1> to vector<512x512xi1>
    %broadcast_in_dim3A_123 = vector.broadcast %jit3A_120 : f32 to vector<512x512xf32>
    %select_n3A_124 = arith.select %broadcast_in_dim3A_122, %max3A_22, %broadcast_in_dim3A_123 : vector<512x512xi1>, vector<512x512xf32>
    %reduce_max3A_125 = arith.constant dense<0xFF800000> : vector<512xf32>
    %reduce_max3A_126 = vector.multi_reduction <maximumf>, %select_n3A_124, %reduce_max3A_125 [0] : vector<512x512xf32> to vector<512xf32>
    %broadcast_in_dim3A_127 = vector.shape_cast %reduce_max3A_126 : vector<512xf32> to vector<1x512xf32>
    %get3A_128 = arith.constant 4 : index
    %get3A_129 = arith.constant 0 : index
    %get3A_130 = vector.load %arg16[%get3A_128, %get3A_129] : memref<8x512xf32, #tpu.memory_space<vmem>>, vector<1x512xf32>
    %max3A_131 = arith.maximumf %get3A_130, %broadcast_in_dim3A_127 : vector<1x512xf32>
    %swap3A_132 = arith.constant 4 : index
    %swap3A_133 = arith.constant 0 : index
    %swap3A_134 = vector.load %arg16[%swap3A_132, %swap3A_133] : memref<8x512xf32, #tpu.memory_space<vmem>>, vector<1x512xf32>
    tpu.vector_store %arg16[%swap3A_132, %swap3A_133], %max3A_131 {strides = array<i32>} : memref<8x512xf32, #tpu.memory_space<vmem>>, vector<1x512xf32>,
    %eq3A_135 = arith.constant 5 : i32
    %eq3A_136 = vector.broadcast %eq3A_135 : i32 to vector<512x1xi32>
    %eq3A_137 = arith.cmpi eq, %get3A_25, %eq3A_136 : vector<512x1xi32>
    %jit3A_138 = arith.constant -3.400000e+38 : f32
    %broadcast_in_dim3A_139 = vector.shape_cast %eq3A_137 : vector<512x1xi1> to vector<512x1xi1>
    %broadcast_in_dim3A_140 = vector.broadcast %broadcast_in_dim3A_139 : vector<512x1xi1> to vector<512x512xi1>
    %broadcast_in_dim3A_141 = vector.broadcast %jit3A_138 : f32 to vector<512x512xf32>
    %select_n3A_142 = arith.select %broadcast_in_dim3A_140, %max3A_22, %broadcast_in_dim3A_141 : vector<512x512xi1>, vector<512x512xf32>
    %reduce_max3A_143 = arith.constant dense<0xFF800000> : vector<512xf32>
    %reduce_max3A_144 = vector.multi_reduction <maximumf>, %select_n3A_142, %reduce_max3A_143 [0] : vector<512x512xf32> to vector<512xf32>
    %broadcast_in_dim3A_145 = vector.shape_cast %reduce_max3A_144 : vector<512xf32> to vector<1x512xf32>
    %get3A_146 = arith.constant 5 : index
    %get3A_147 = arith.constant 0 : index
    %get3A_148 = vector.load %arg16[%get3A_146, %get3A_147] : memref<8x512xf32, #tpu.memory_space<vmem>>, vector<1x512xf32>
    %max3A_149 = arith.maximumf %get3A_148, %broadcast_in_dim3A_145 : vector<1x512xf32>
    %swap3A_150 = arith.constant 5 : index
    %swap3A_151 = arith.constant 0 : index
    %swap3A_152 = vector.load %arg16[%swap3A_150, %swap3A_151] : memref<8x512xf32, #tpu.memory_space<vmem>>, vector<1x512xf32>
    tpu.vector_store %arg16[%swap3A_150, %swap3A_151], %max3A_149 {strides = array<i32>} : memref<8x512xf32, #tpu.memory_space<vmem>>, vector<1x512xf32>,
    %eq3A_153 = arith.constant 6 : i32
    %eq3A_154 = vector.broadcast %eq3A_153 : i32 to vector<512x1xi32>
    %eq3A_155 = arith.cmpi eq, %get3A_25, %eq3A_154 : vector<512x1xi32>
    %jit3A_156 = arith.constant -3.400000e+38 : f32
    %broadcast_in_dim3A_157 = vector.shape_cast %eq3A_155 : vector<512x1xi1> to vector<512x1xi1>
    %broadcast_in_dim3A_158 = vector.broadcast %broadcast_in_dim3A_157 : vector<512x1xi1> to vector<512x512xi1>
    %broadcast_in_dim3A_159 = vector.broadcast %jit3A_156 : f32 to vector<512x512xf32>
    %select_n3A_160 = arith.select %broadcast_in_dim3A_158, %max3A_22, %broadcast_in_dim3A_159 : vector<512x512xi1>, vector<512x512xf32>
    %reduce_max3A_161 = arith.constant dense<0xFF800000> : vector<512xf32>
    %reduce_max3A_162 = vector.multi_reduction <maximumf>, %select_n3A_160, %reduce_max3A_161 [0] : vector<512x512xf32> to vector<512xf32>
    %broadcast_in_dim3A_163 = vector.shape_cast %reduce_max3A_162 : vector<512xf32> to vector<1x512xf32>
    %get3A_164 = arith.constant 6 : index
    %get3A_165 = arith.constant 0 : index
    %get3A_166 = vector.load %arg16[%get3A_164, %get3A_165] : memref<8x512xf32, #tpu.memory_space<vmem>>, vector<1x512xf32>
    %max3A_167 = arith.maximumf %get3A_166, %broadcast_in_dim3A_163 : vector<1x512xf32>
    %swap3A_168 = arith.constant 6 : index
    %swap3A_169 = arith.constant 0 : index
    %swap3A_170 = vector.load %arg16[%swap3A_168, %swap3A_169] : memref<8x512xf32, #tpu.memory_space<vmem>>, vector<1x512xf32>
    tpu.vector_store %arg16[%swap3A_168, %swap3A_169], %max3A_167 {strides = array<i32>} : memref<8x512xf32, #tpu.memory_space<vmem>>, vector<1x512xf32>,
    %eq3A_171 = arith.constant 7 : i32
    %eq3A_172 = vector.broadcast %eq3A_171 : i32 to vector<512x1xi32>
    %eq3A_173 = arith.cmpi eq, %get3A_25, %eq3A_172 : vector<512x1xi32>
    %jit3A_174 = arith.constant -3.400000e+38 : f32
    %broadcast_in_dim3A_175 = vector.shape_cast %eq3A_173 : vector<512x1xi1> to vector<512x1xi1>
    %broadcast_in_dim3A_176 = vector.broadcast %broadcast_in_dim3A_175 : vector<512x1xi1> to vector<512x512xi1>
    %broadcast_in_dim3A_177 = vector.broadcast %jit3A_174 : f32 to vector<512x512xf32>
    %select_n3A_178 = arith.select %broadcast_in_dim3A_176, %max3A_22, %broadcast_in_dim3A_177 : vector<512x512xi1>, vector<512x512xf32>
    %reduce_max3A_179 = arith.constant dense<0xFF800000> : vector<512xf32>
    %reduce_max3A_180 = vector.multi_reduction <maximumf>, %select_n3A_178, %reduce_max3A_179 [0] : vector<512x512xf32> to vector<512xf32>
    %broadcast_in_dim3A_181 = vector.shape_cast %reduce_max3A_180 : vector<512xf32> to vector<1x512xf32>
    %get3A_182 = arith.constant 7 : index
    %get3A_183 = arith.constant 0 : index
    %get3A_184 = vector.load %arg16[%get3A_182, %get3A_183] : memref<8x512xf32, #tpu.memory_space<vmem>>, vector<1x512xf32>
    %max3A_185 = arith.maximumf %get3A_184, %broadcast_in_dim3A_181 : vector<1x512xf32>
    %swap3A_186 = arith.constant 7 : index
    %swap3A_187 = arith.constant 0 : index
    %swap3A_188 = vector.load %arg16[%swap3A_186, %swap3A_187] : memref<8x512xf32, #tpu.memory_space<vmem>>, vector<1x512xf32>
    tpu.vector_store %arg16[%swap3A_186, %swap3A_187], %max3A_185 {strides = array<i32>} : memref<8x512xf32, #tpu.memory_space<vmem>>, vector<1x512xf32>,
    %eq3A_189 = arith.constant 15 : i32
    %eq3A_190 = arith.cmpi eq, %arg0, %eq3A_189 : i32
    %convert_element_type3A_191 = arith.extui %eq3A_190 : i1 to i32
    %cond3A_192 = arith.constant 0 : i32
    %cond3A_193 = arith.cmpi ne, %convert_element_type3A_191, %cond3A_192 : i32
    scf.if %cond3A_193 {
      %get3A_194 = arith.constant 0 : index
      %get3A_195 = arith.constant 0 : index
      %get3A_196 = vector.load %arg17[%get3A_194, %get3A_195] : memref<8x128xf32, #tpu.memory_space<vmem>>, vector<8x1xf32>
      %max3A_197 = arith.constant 1.000000e+00 : f32
      %max3A_198 = vector.broadcast %max3A_197 : f32 to vector<8x1xf32>
      %max3A_199 = arith.maximumf %get3A_196, %max3A_198 : vector<8x1xf32>
      %get3A_200 = arith.constant 0 : index
      %get3A_201 = arith.constant 0 : index
      %get3A_202 = vector.load %arg15[%get3A_200, %get3A_201] : memref<8x512xf32, #tpu.memory_space<vmem>>, vector<8x512xf32>
      %div3A = vector.broadcast %max3A_199 : vector<8x1xf32> to vector<8x512xf32>
      %div3A_203 = arith.divf %get3A_202, %div3A : vector<8x512xf32>
      %get3A_204 = arith.constant 0 : index
      %get3A_205 = arith.constant 0 : index
      %get3A_206 = vector.load %arg7[%get3A_204, %get3A_205] : memref<512x512xf32, #tpu.memory_space<vmem>>, vector<512x512xf32>
      %dot_general3A_207 = arith.constant dense<0.000000e+00> : vector<8x512xf32>
      %dot_general3A_208 = tpu.matmul %div3A_203, %get3A_206, %dot_general3A_207 {dimension_numbers = #tpu.dot_dimension_numbers<[1], [0], [0], [1], [0, 0, 1, 1], [], []>, transpose_lhs_hint = false} : vector<8x512xf32>, vector<512x512xf32>, vector<8x512xf32> -> vector<8x512xf32>
      %get3A_209 = arith.constant 0 : index
      %get3A_210 = arith.constant 0 : index
      %get3A_211 = vector.load %arg16[%get3A_209, %get3A_210] : memref<8x512xf32, #tpu.memory_space<vmem>>, vector<8x512xf32>
      %get3A_212 = arith.constant 0 : index
      %get3A_213 = arith.constant 0 : index
      %get3A_214 = vector.load %arg8[%get3A_212, %get3A_213] : memref<512x512xf32, #tpu.memory_space<vmem>>, vector<512x512xf32>
      %dot_general3A_215 = arith.constant dense<0.000000e+00> : vector<8x512xf32>
      %dot_general3A_216 = tpu.matmul %get3A_211, %get3A_214, %dot_general3A_215 {dimension_numbers = #tpu.dot_dimension_numbers<[1], [0], [0], [1], [0, 0, 1, 1], [], []>, transpose_lhs_hint = false} : vector<8x512xf32>, vector<512x512xf32>, vector<8x512xf32> -> vector<8x512xf32>
      %add3A_217 = arith.addf %dot_general3A_208, %dot_general3A_216 : vector<8x512xf32>
      %get3A_218 = arith.constant 0 : index
      %get3A_219 = arith.constant 0 : index
      %get3A_220 = vector.load %arg9[%get3A_218, %get3A_219] : memref<1x512xf32, #tpu.memory_space<vmem>>, vector<1x512xf32>
      %add3A_221 = vector.broadcast %get3A_220 : vector<1x512xf32> to vector<8x512xf32>
      %add3A_222 = arith.addf %add3A_217, %add3A_221 : vector<8x512xf32>
      %max3A_223 = arith.constant 0.000000e+00 : f32
      %max3A_224 = vector.broadcast %max3A_223 : f32 to vector<8x512xf32>
      %max3A_225 = arith.maximumf %add3A_222, %max3A_224 : vector<8x512xf32>
      %get3A_226 = arith.constant 0 : index
      %get3A_227 = arith.constant 0 : index
      %get3A_228 = vector.load %arg10[%get3A_226, %get3A_227] : memref<512x256xf32, #tpu.memory_space<vmem>>, vector<512x256xf32>
      %dot_general3A_229 = arith.constant dense<0.000000e+00> : vector<8x256xf32>
      %dot_general3A_230 = tpu.matmul %max3A_225, %get3A_228, %dot_general3A_229 {dimension_numbers = #tpu.dot_dimension_numbers<[1], [0], [0], [1], [0, 0, 1, 1], [], []>, transpose_lhs_hint = false} : vector<8x512xf32>, vector<512x256xf32>, vector<8x256xf32> -> vector<8x256xf32>
      %get3A_231 = arith.constant 0 : index
      %get3A_232 = arith.constant 0 : index
      %get3A_233 = vector.load %arg11[%get3A_231, %get3A_232] : memref<1x256xf32, #tpu.memory_space<vmem>>, vector<1x256xf32>
      %add3A_234 = vector.broadcast %get3A_233 : vector<1x256xf32> to vector<8x256xf32>
      %add3A_235 = arith.addf %dot_general3A_230, %add3A_234 : vector<8x256xf32>
      %max3A_236 = arith.constant 0.000000e+00 : f32
      %max3A_237 = vector.broadcast %max3A_236 : f32 to vector<8x256xf32>
      %max3A_238 = arith.maximumf %add3A_235, %max3A_237 : vector<8x256xf32>
      %get3A_239 = arith.constant 0 : index
      %get3A_240 = arith.constant 0 : index
      %get3A_241 = vector.load %arg12[%get3A_239, %get3A_240] : memref<256x10xf32, #tpu.memory_space<vmem>>, vector<256x10xf32>
      %dot_general3A_242 = arith.constant dense<0.000000e+00> : vector<8x10xf32>
      %dot_general3A_243 = tpu.matmul %max3A_238, %get3A_241, %dot_general3A_242 {dimension_numbers = #tpu.dot_dimension_numbers<[1], [0], [0], [1], [0, 0, 1, 1], [], []>, transpose_lhs_hint = false} : vector<8x256xf32>, vector<256x10xf32>, vector<8x10xf32> -> vector<8x10xf32>
      %get3A_244 = arith.constant 0 : index
      %get3A_245 = arith.constant 0 : index
      %get3A_246 = vector.load %arg13[%get3A_244, %get3A_245] : memref<1x10xf32, #tpu.memory_space<vmem>>, vector<1x10xf32>
      %add3A_247 = vector.broadcast %get3A_246 : vector<1x10xf32> to vector<8x10xf32>
      %add3A_248 = arith.addf %dot_general3A_243, %add3A_247 : vector<8x10xf32>
      %swap3A_249 = arith.constant 0 : index
      %swap3A_250 = arith.constant 0 : index
      %swap3A_251 = vector.load %arg14[%swap3A_249, %swap3A_250] : memref<8x10xf32, #tpu.memory_space<vmem>>, vector<8x10xf32>
      tpu.vector_store %arg14[%swap3A_249, %swap3A_250], %add3A_248 {strides = array<i32>} : memref<8x10xf32, #tpu.memory_space<vmem>>, vector<8x10xf32>,
    } else {
    }
    return
  }
  func.func @transform_0(%arg0: i32) -> (i32, i32) {
    %c0_i32 = arith.constant 0 : i32
    %c0_i32_0 = arith.constant 0 : i32
    return %arg0, %c0_i32 : i32, i32
  }
  func.func @transform_1(%arg0: i32) -> (i32, i32) {
    %c0_i32 = arith.constant 0 : i32
    %c0_i32_0 = arith.constant 0 : i32
    return %arg0, %c0_i32 : i32, i32
  }
  func.func @transform_2(%arg0: i32) -> (i32, i32) {
    %c0_i32 = arith.constant 0 : i32
    %c0_i32_0 = arith.constant 0 : i32
    return %arg0, %c0_i32 : i32, i32
  }
  func.func @transform_3(%arg0: i32) -> (i32, i32) {
    %c0_i32 = arith.constant 0 : i32
    %c0_i32_0 = arith.constant 0 : i32
    %c0_i32_1 = arith.constant 0 : i32
    return %c0_i32, %c0_i32_0 : i32, i32
  }
  func.func @transform_4(%arg0: i32) -> (i32, i32) {
    %c0_i32 = arith.constant 0 : i32
    %c0_i32_0 = arith.constant 0 : i32
    %c0_i32_1 = arith.constant 0 : i32
    return %c0_i32, %c0_i32_0 : i32, i32
  }
  func.func @transform_5(%arg0: i32) -> (i32, i32) {
    %c0_i32 = arith.constant 0 : i32
    %c0_i32_0 = arith.constant 0 : i32
    %c0_i32_1 = arith.constant 0 : i32
    return %c0_i32, %c0_i32_0 : i32, i32
  }
  func.func @transform_6(%arg0: i32) -> (i32, i32) {
    %c0_i32 = arith.constant 0 : i32
    %c0_i32_0 = arith.constant 0 : i32
    %c0_i32_1 = arith.constant 0 : i32
    return %c0_i32, %c0_i32_0 : i32, i32
  }
  func.func @transform_7(%arg0: i32) -> (i32, i32) {
    %c0_i32 = arith.constant 0 : i32
    %c0_i32_0 = arith.constant 0 : i32
    %c0_i32_1 = arith.constant 0 : i32
    return %c0_i32, %c0_i32_0 : i32, i32
  }
  func.func @transform_8(%arg0: i32) -> (i32, i32) {
    %c0_i32 = arith.constant 0 : i32
    %c0_i32_0 = arith.constant 0 : i32
    %c0_i32_1 = arith.constant 0 : i32
    return %c0_i32, %c0_i32_0 : i32, i32
  }
  func.func @transform_9(%arg0: i32) -> (i32, i32) {
    %c0_i32 = arith.constant 0 : i32
    %c0_i32_0 = arith.constant 0 : i32
    %c0_i32_1 = arith.constant 0 : i32
    return %c0_i32, %c0_i32_0 : i32, i32
  }
  func.func @transform_10(%arg0: i32) -> (i32, i32) {
    %c0_i32 = arith.constant 0 : i32
    %c0_i32_0 = arith.constant 0 : i32
    %c0_i32_1 = arith.constant 0 : i32
    return %c0_i32, %c0_i32_0 : i32, i32
  }
  func.func @transform_11(%arg0: i32) -> (i32, i32) {
    %c0_i32 = arith.constant 0 : i32
    %c0_i32_0 = arith.constant 0 : i32
    %c0_i32_1 = arith.constant 0 : i32
    return %c0_i32, %c0_i32_0 : i32, i32
  }
  func.func @transform_12(%arg0: i32) -> (i32, i32) {
    %c0_i32 = arith.constant 0 : i32
    %c0_i32_0 = arith.constant 0 : i32
    %c0_i32_1 = arith.constant 0 : i32
    return %c0_i32, %c0_i32_0 : i32, i32
  }
  func.func @transform_13(%arg0: i32) -> (i32, i32) {
    %c0_i32 = arith.constant 0 : i32
    %c0_i32_0 = arith.constant 0 : i32
    %c0_i32_1 = arith.constant 0 : i32
    return %c0_i32, %c0_i32_0 : i32, i32
  }
}

</mosaic_0001>

<sc_bundles>
// kernel: kernel.12.cloned.1.call-start
scs
__scs_entry_jumppad:
0x0: {  	(pc) =	sbr.rel $0x88, $3  }
0x1: {  	(tag) =	ssettag $0x0;
	lr =	simm.s32 $0x1  }
0x2: {  	[smem:$0x3F91] =	sst lr;
	_ =	strace $0xD0000000  }
0x3: {  	_ = 	snop  }
0x4: {  	_ = 	snop  }
0x5: {  	_ = 	snop  }
0x6: {  	_ = 	snop  }
0x7: {  	_ = 	snop  }
__scs_overlays_trampoline_lowered:
0x8: {  	[smem:$0x3FA0] =	sst s0  }
0x9: {  	[smem:$0x3FA1] =	sst s1  }
0xa: {  	[smem:$0x3FA2] =	sst s2  }
0xb: {  	[smem:$0x3FA3] =	sst s3  }
0xc: {  	[smem:$0x3FA4] =	sst s4  }
0xd: {  	[smem:$0x3FA5] =	sst s5  }
0xe: {  	[smem:$0x3FA6] =	sst s6  }
0xf: {  	[smem:$0x3FA7] =	sst s7  }
0x10: {  	[smem:$0x3FA8] =	sst s8  }
0x11: {  	[smem:$0x3FA9] =	sst s9;
	s0 =	simm.s32 @!p0 $0x0  }
0x12: {  	s1 =	sld [smem:$0x3F8F];
	s0 =	simm.s32 @p0 $0x1  }
0x13: {  	[smem:$0x3FAA] =	sst s0;
	s0 =	simm.s32 @!p1 $0x0  }
0x14: {  	s2 =	sld [smem:$0x3F8E];
	s0 =	simm.s32 @p1 $0x1  }
0x15: {  	[smem:$0x3FAB] =	sst s0;
	s0 =	simm.s32 @!p2 $0x0  }
0x16: {  	s3 =	sld [smem:$0x3FDB];
	s0 =	simm.s32 @p2 $0x1  }
0x17: {  	s4 =	simm.s32 $0x1BF5;
	[smem:$0x3FAD] =	sst s0  }
0x18: {  	s0 =	sld [smem:$0x3F90];
	_ =	swait.ge [sflag:s4], $0x0  }
0x19: {  	s7 =	sld [smem:$0x3F91]  }
0x1a: {  	s8 =	sadd.s32 $0xFFFFE003, lr  }
0x1b: {  	s9 =	sadd.s32 $0xFFFFFEF7, lr;
	s5 =	simm.s32 $0xFFFFFFFF;
	p2 =	slt.u32 s8, $0xFFFFF086  }
0x1c: {  	p1 =	slt.u32 s9, $0xF7A;
	s5 =	simm.s32 @!p2 $0x0  }
0x1d: {  	s5 =	simm.s32 @p1 $0x1;
	p0 =	seq.s32 s7, s2  }
0x1e: {  	s7 =	smul.u32 @!p0 $0xF7A, s2;
	p2 =	seq.s32 @!p0 s5, $0x0  }
0x1f: {  	s9 =	smul.u32 $0xF7A, s1;
	s8 =	simm.s32 @!p0 $0x1BF5;
	p2 =	por !p2, p0  }
0x20: {  	[sflag:s8] =	ssyncset.s32 @!p0 $0xFFFFF086;
	s6 =	sadd.s32 @!p0 s3, s7;
	s7 =	simm.s32 @!p0 $0x108  }
0x21: {  	s3 =	sadd.s32 s3, s9;
	s6 =	sadd.s32 @!p0 $0x88, s6;
	s7 =	simm.s32 @p2 $0x1082  }
0x22: {  	[simem:s7], [sflag:s8] =	dma.local @!p0 [hbm:s6], $0xF7A  }
0x23: {  	s9 =	sor.u32 $0xD0000000, s2;
	s6 =	simm.s32 $0x108;
	_ =	swait.ge @!p0 [sflag:s8], $0x0  }
0x24: {  	s3 =	sadd.s32 $0x88, s3;
	s6 =	simm.s32 @!p1 $0x1082;
	[sflag:s4] =	ssyncset.s32 $0xFFFFF086  }
0x25: {  	[simem:s6], [sflag:s4] =	dma.local [hbm:s3], $0xF7A  }
0x26: {  	[smem:$0x3F91] =	sst s1;
	(tag) =	ssettag s2;
	_ =	strace s9  }
0x27: {  	s1 =	sld [smem:$0x3FA1]  }
0x28: {  	s2 =	sld [smem:$0x3FA2]  }
0x29: {  	s4 =	sld [smem:$0x3FA4]  }
0x2a: {  	p0 =	seq.s32 s5, $0x0;
	s5 =	sld [smem:$0x3FA5]  }
0x2b: {  	s6 =	sld [smem:$0x3FA6]  }
0x2c: {  	s7 =	sld [smem:$0x3FA7]  }
0x2d: {  	s3 =	simm.s32 $0x108;
	s8 =	sld [smem:$0x3FA8]  }
0x2e: {  	s3 =	simm.s32 @!p0 $0x1082;
	s9 =	sld [smem:$0x3FA9]  }
0x2f: {  	lr =	sadd.s32 s0, s3;
	s0 =	sld [smem:$0x3FA0]  }
0x30: {  	s3 =	sld [smem:$0x3FA3]  }
0x31: {  	[smem:$0x3FAC] =	sst s10  }
0x32: {  	s10 =	sld [smem:$0x3FAA];
	_ =	sdelay $0x3  }
0x33: {  	p0 =	seq.s32 s10, $0x1;
	s10 =	sld [smem:$0x3FAC];
	_ =	sdelay $0x3  }
0x34: {  	[smem:$0x3FAC] =	sst s10  }
0x35: {  	s10 =	sld [smem:$0x3FAB];
	_ =	sdelay $0x3  }
0x36: {  	p1 =	seq.s32 s10, $0x1;
	s10 =	sld [smem:$0x3FAC];
	_ =	sdelay $0x3  }
0x37: {  	[smem:$0x3FAC] =	sst s10  }
0x38: {  	s10 =	sld [smem:$0x3FAD]  }
0x39: {  	_ = 	snop;
	(pc) =	sbr.ind lr, $3  }
0x3a: {  	_ = 	snop  }
0x3b: {  	_ = 	snop  }
0x3c: {  	p2 =	seq.s32 s10, $0x1;
	s10 =	sld [smem:$0x3FAC]  }
0x3d: {  	_ =	shalt  }
0x3e: {  	_ =	shalt  }
0x3f: {  	_ =	shalt  }
0x40: {  	_ =	shalt  }
0x41: {  	_ =	shalt  }
0x42: {  	_ =	shalt  }
0x43: {  	_ =	shalt  }
0x44: {  	_ =	shalt  }
0x45: {  	_ =	shalt  }
0x46: {  	_ =	shalt  }
0x47: {  	_ =	shalt  }
0x48: {  	_ =	shalt  }
0x49: {  	_ =	shalt  }
0x4a: {  	_ =	shalt  }
0x4b: {  	_ =	shalt  }
0x4c: {  	_ =	shalt  }
0x4d: {  	_ =	shalt  }
0x4e: {  	_ =	shalt  }
0x4f: {  	_ =	shalt  }
0x50: {  	_ =	shalt  }
0x51: {  	_ =	shalt  }
0x52: {  	_ =	shalt  }
0x53: {  	_ =	shalt  }
0x54: {  	_ =	shalt  }
0x55: {  	_ =	shalt  }
0x56: {  	_ =	shalt  }
0x57: {  	_ =	shalt  }
0x58: {  	_ =	shalt  }
0x59: {  	_ =	shalt  }
0x5a: {  	_ =	shalt  }
0x5b: {  	_ =	shalt  }
0x5c: {  	_ =	shalt  }
0x5d: {  	_ =	shalt  }
0x5e: {  	_ =	shalt  }
0x5f: {  	_ =	shalt  }
0x60: {  	_ =	shalt  }
0x61: {  	_ =	shalt  }
0x62: {  	_ =	shalt  }
0x63: {  	_ =	shalt  }
0x64: {  	_ =	shalt  }
0x65: {  	_ =	shalt  }
0x66: {  	_ =	shalt  }
0x67: {  	_ =	shalt  }
0x68: {  	_ =	shalt  }
0x69: {  	_ =	shalt  }
0x6a: {  	_ =	shalt  }
0x6b: {  	_ =	shalt  }
0x6c: {  	_ =	shalt  }
0x6d: {  	_ =	shalt  }
0x6e: {  	_ =	shalt  }
0x6f: {  	_ =	shalt  }
0x70: {  	_ =	shalt  }
0x71: {  	_ =	shalt  }
0x72: {  	_ =	shalt  }
0x73: {  	_ =	shalt  }
0x74: {  	_ =	shalt  }
0x75: {  	_ =	shalt  }
0x76: {  	_ =	shalt  }
0x77: {  	_ =	shalt  }
0x78: {  	_ =	shalt  }
0x79: {  	_ =	shalt  }
0x7a: {  	_ =	shalt  }
0x7b: {  	_ =	shalt  }
0x7c: {  	_ =	shalt  }
0x7d: {  	_ =	shalt  }
0x7e: {  	_ =	shalt  }
0x7f: {  	_ =	shalt  }
0x80: {  	_ =	shalt  }
0x81: {  	_ =	shalt  }
0x82: {  	_ =	shalt  }
0x83: {  	_ =	shalt  }
0x84: {  	_ =	shalt  }
0x85: {  	_ =	shalt  }
0x86: {  	_ =	shalt  }
0x87: {  	_ =	shalt  }
.Lfunc_end0:
.L_simem_size_0:
called_computation_lowered:
.L_overlay_start_0:
0x88: {  	s2 =	sld [smem:$0x3FD9]  }
0x89: {  	s3 =	sld [smem:$0x3FFE];
	_ =	sdelay $0x1  }
0x8a: {  	s1 =	srdreg.scid  }
0x8b: {  	s0 =	sand.u32 $0x1, s1  }
0x8c: {  	s16 =	sshll.u32 s0, $0xA;
	s2 =	sadd.s32 s3, s2  }
0x8d: {  	s2 =	sadd.s32 s2, s16  }
0x8e: {  	[smem:$0x3FB8] =	sst s2  }
0x8f: {  	_ = 	snop  }
0x90: {  	(tm) =	ssettm $0x1  }
0x91: {  	s17 =	sld [smem:$0x3FFB];
	_ =	sdelay $0x3  }
0x92: {  	_ =	strace s17  }
0x93: {  	s2 =	sld [smem:$0x3FFC];
	_ =	sdelay $0x3  }
0x94: {  	_ =	strace s2  }
0x95: {  	s2 =	sld [smem:$0x3FFD];
	_ =	sdelay $0x3  }
0x96: {  	_ =	strace s2  }
0x97: {  	_ =	strace $0x8FFFFFFF  }
0x98: {  	s18 =	sld [smem:$0x3FDB];
	_ =	sdelay $0x1  }
0x99: {  	s19 =	simm.s32 $_scs_section_size  }
0x9a: {  	s4 =	simm.s32 $_size__tile_overlayer_lowered;
	s5 =	simm.s32 $_tile_overlayer_lowered  }
0x9b: {  	s22 =	simm.s32 $0x1BFF;
	s21 =	sshll.u32 s5, $0x1;
	s2 =	sadd.s32 s19, s18  }
0x9c: {  	s6 =	simm.s32 $0x0;
	s20 =	sshll.u32 s4, $0x1;
	s4 =	sadd.s32 s21, s2  }
0x9d: {  	[timem:s6], [sflag:s22] =	dma.local [hbm:s4], s20  }
0x9e: {  	_ =	swait.ge [sflag:s22], s20  }
0x9f: {  	s3 =	ssub.s32 $0x0, s20;
	[sflag:s22] =	ssyncset.done $0x0  }
0xa0: {  	[sflag:s22] =	ssyncadd.s32 s3;
	_ =	sdelay $0x1  }
0xa1: {  	s23 =	simm.s32 $0x1B8B  }
0xa2: {  	_ =	swait.ge [sflag:s23], $0x1  }
0xa3: {  	[sflag:s23] =	ssyncset.done $0x0  }
0xa4: {  	s25 =	simm.s32 $0x1B8E;
	s24 =	sld [smem:$0x3FFE];
	[sflag:s23] =	ssyncadd.s32 $0xFFFFFFFF  }
0xa5: {  	s26 =	simm.s32 $execute0_lowered;
	[smem:$0x3FD2] =	sst s25  }
0xa6: {  	s4 =	sshll.u32 s26, $0x1;
	_ =	strace $0x80000046;
	[dreg:$0x1] =	wrdreg $0xFFFFFFFF  }
0xa7: {  	s28 =	simm.s32 $_size_execute0_lowered;
	s2 =	sadd.s32 s2, s4;
	[dreg:$0x0] =	wrdreg $0x0  }
0xa8: {  	s4 =	sshll.u32 s28, $0x1;
	[dreg:$0x2] =	wrdreg s2  }
0xa9: {  	[dreg:$0x3] =	wrdreg s4  }
0xaa: {  	[dreg:$0x4] =	wrdreg $0xC0  }
0xab: {  	_ =	task [dreg:s6], $0x5FFFF  }
0xac: {  	[dreg:$0x1] =	wrdreg $0xFFFFFFFF  }
0xad: {  	[dreg:$0x0] =	wrdreg $0x60  }
0xae: {  	[dreg:$0x2] =	wrdreg s24  }
0xaf: {  	[dreg:$0x3] =	wrdreg $0x9  }
0xb0: {  	_ =	task.clear_ibuf [dreg:s6], $0x4FFFF;
	_ =	strace $0x90000046  }
0xb1: {  	s29 =	simm.s32 $0x9;
	_ =	strace $0x80000048  }
0xb2: {  	_ =	swait.ge [sflag:s29], $0x1  }
0xb3: {  	[sflag:s29] =	ssyncadd.s32 $0xFFFFFFFF  }
0xb4: {  	_ =	strace $0x90000048  }
0xb5: {  	_ =	sfence  }
0xb6: {  	s30 =	sld [smem:$0x0];
	_ =	sdelay $0x2  }
0xb7: {  	s31 =	sshll.u32 s1, $0xD;
	s1 =	sshrl.u32 s1, $0x2  }
0xb8: {  	s3 =	sand.u32 $0x4000, s31;
	s1 =	sadd.s32 s1, s30  }
0xb9: {  	s0 =	sor.u32 s3, s0;
	s1 =	sshll.u32 s1, $0x11  }
0xba: {  	s0 =	sor.u32 s1, s0  }
0xbb: {  	s0 =	sadd.s32 $0x8F2B, s0  }
0xbc: {  	[sflag:s0] =	ssyncadd.remote.s32 $0x1  }
0xbd: {  	_ =	sfence.sel $0xFFFF  }
0xbe: {  	[dreg:$0x0] =	wrdreg $0xFFFFFFFF;
	(pc) =	sbr.abs _section_cstart, $3  }
0xbf: {  	[dreg:$0x1] =	wrdreg $0xFFFFFFFF  }
0xc0: {  	_ =	task.clear_ibuf [dreg:s6], $0x2FFFF;
	_ =	strace $0x9FFFFFFF  }
0xc1: {  	(tm) =	ssettm $0x7FFFFFFF  }
tec
execute0_lowered:
.L_overlay_start_1:
0x0: {  	(tag) =	ssettag $0x1  }
0x1: {  	s4 =	rddreg [dreg:$0x0]  }
0x2: {  	s0 =	rddreg [dreg:$0x1]  }
0x3: {  	s2 =	simm.s32 $0x0;
	s3 =	srdreg.scid;
	s1 =	stileid.u32  }
0x4: {  	s9 =	simm.s32 $0x1400;
	s10 =	simm.s32 $0x5400;
	s11 =	simm.s32 $0x9400  }
0x5: {  	s12 =	simm.s32 $0xD400;
	s13 =	simm.s32 $0x1;
	s14 =	simm.s32 $0x0  }
0x6: {  	s3 =	sand.u32 $0x1, s3;
	s5 =	sshll.u32 s1, $0x1;
	s6 =	smul.u32 $0x140000, s1  }
0x7: {  	[smem:$0x7FF] =	sst s2;
	s5 =	sor.u32 s3, s5;
	s7 =	smul.u32 $0xA0000, s3  }
0x8: {  	_ =	strace $0x80000047;
	s8 =	ssub.s32 $0x2, s3;
	s5 =	smul.u32 $0x280, s5  }
0x9: {  	s3 =	sadd.s32 $0x8200, s4;
	s31 =	sshrl.u32 s8, $0x1;
	s6 =	sadd.s32 s7, s6  }
0xa: {  	s7 =	ssub.s32 s8, s31;
	s5 =	sadd.s32 s5, s4;
	s6 =	sshrl.u32 s6, $0x3  }
0xb: {  	s8 =	simm.s32 $0x80;
	s6 =	sadd.s32 s6, s4;
	s4 =	sadd.s32 $0x3200, s5  }
0xc: {  	s5 =	smax.u32 s7, $0x1;
	s7 =	simm.s32 $0x2;
	s6 =	sadd.s32 $0x28200, s6  }
.LBB2_1:
0xd: {  	[tilespmem:s2], [sflag:$0x2] =	stream.linear.gather [hbm4b:s4+s2], $0x1400, $0x38;
	[tilespmem:$0x11400] =	vst v63  }
0xe: {  	_ =	swait.ge [sflag:s7], $0x1400  }
0xf: {  	[sflag:s7] =	ssyncset.done $0x0  }
0x10: {  	s15 =	simm.s32 $0x0;
	[sflag:s7] =	ssyncadd.s32 $0xFFFFEC00  }
0x11: {  	[tilespmem:s9], [sflag:$0x1] =	stream.indirect.gather [hbm4b:s3+s8], $0x80, s15, s8, $0xb8;
	[tilespmem:$0x11400] =	vst v63  }
0x12: {  	s28 =	simm.s32 $0x80  }
0x13: {  	[tilespmem:s10], [sflag:$0x1] =	stream.indirect.gather [hbm4b:s3+s8], $0x80, s28, s8, $0xb8;
	[tilespmem:$0x11400] =	vst v63  }
0x14: {  	s29 =	simm.s32 $0x100  }
0x15: {  	[tilespmem:s11], [sflag:$0x1] =	stream.indirect.gather [hbm4b:s3+s8], $0x80, s29, s8, $0xb8;
	[tilespmem:$0x11400] =	vst v63  }
0x16: {  	s30 =	simm.s32 $0x180  }
0x17: {  	[tilespmem:s12], [sflag:$0x1] =	stream.indirect.gather [hbm4b:s3+s8], $0x80, s30, s8, $0xb8;
	[tilespmem:$0x11400] =	vst v63  }
0x18: {  	_ =	swait.ge [sflag:s13], $0x4000  }
0x19: {  	[sflag:s13] =	ssyncset.done $0x0  }
0x1a: {  	[sflag:s13] =	ssyncadd.s32 $0xFFFFC000  }
0x1b: {  	_ =	swait.ge [sflag:s13], $0x4000  }
0x1c: {  	[sflag:s13] =	ssyncset.done $0x0  }
0x1d: {  	[sflag:s13] =	ssyncadd.s32 $0xFFFFC000  }
0x1e: {  	_ =	swait.ge [sflag:s13], $0x4000  }
0x1f: {  	[sflag:s13] =	ssyncset.done $0x0  }
0x20: {  	[sflag:s13] =	ssyncadd.s32 $0xFFFFC000  }
0x21: {  	_ =	swait.ge [sflag:s13], $0x4000  }
0x22: {  	[sflag:s13] =	ssyncset.done $0x0  }
0x23: {  	s31 =	sadd.s32 $0x0, s6;
	[sflag:s13] =	ssyncadd.s32 $0xFFFFC000  }
0x24: {  	[hbm4b:s31+s2] =	stream.linear.scatter [tilespmem:s9], [sflag:$0x2], $0x10000, $0x38;
	[tilespmem:$0x11400] =	vst v63  }
0x25: {  	s17 =	simm.s32 $0x4000;
	_ =	swait.ge [sflag:s7], $0x10000  }
0x26: {  	s16 =	simm.s32 $0x380;
	s15 =	simm.s32 $0x2000;
	[sflag:s7] =	ssyncset.done $0x0  }
.LBB2_2:
0x27: {  	p0 =	sne.s32 s17, $0x12000;
	s18 =	sadd.s32 $0xFFFFFE80, s16;
	[sflag:s7] =	ssyncadd.s32 $0xFFFF0000  }
0x28: {  	[tilespmem:s9], [sflag:$0x1] =	stream.indirect.gather [hbm4b:s3+s8], $0x80, s18, s8, $0xb8;
	[tilespmem:$0x11400] =	vst v63  }
0x29: {  	s19 =	smov.u32 s17;
	s17 =	sadd.s32 $0x2000, s17;
	s18 =	sadd.s32 $0xFFFFFF00, s16  }
0x2a: {  	[tilespmem:s10], [sflag:$0x1] =	stream.indirect.gather [hbm4b:s3+s8], $0x80, s18, s8, $0xb8;
	[tilespmem:$0x11400] =	vst v63  }
0x2b: {  	s18 =	sadd.s32 $0xFFFFFF80, s16  }
0x2c: {  	[tilespmem:s11], [sflag:$0x1] =	stream.indirect.gather [hbm4b:s3+s8], $0x80, s18, s8, $0xb8;
	[tilespmem:$0x11400] =	vst v63  }
0x2d: {  	_ = 	snop  }
0x2e: {  	[tilespmem:s12], [sflag:$0x1] =	stream.indirect.gather [hbm4b:s3+s8], $0x80, s16, s8, $0xb8;
	[tilespmem:$0x11400] =	vst v63  }
0x2f: {  	_ =	swait.ge [sflag:s13], $0x4000  }
0x30: {  	[sflag:s13] =	ssyncset.done $0x0  }
0x31: {  	[sflag:s13] =	ssyncadd.s32 $0xFFFFC000  }
0x32: {  	_ =	swait.ge [sflag:s13], $0x4000  }
0x33: {  	[sflag:s13] =	ssyncset.done $0x0  }
0x34: {  	[sflag:s13] =	ssyncadd.s32 $0xFFFFC000  }
0x35: {  	_ =	swait.ge [sflag:s13], $0x4000  }
0x36: {  	[sflag:s13] =	ssyncset.done $0x0  }
0x37: {  	[sflag:s13] =	ssyncadd.s32 $0xFFFFC000  }
0x38: {  	_ =	swait.ge [sflag:s13], $0x4000  }
.Ltmp0:
0x39: {  	[sflag:s13] =	ssyncset.done $0x0;
	(pc) =	sbr.rel @p0 .LBB2_2-.Ltmp0, $4  }
0x3a: {  	s18 =	sadd.s32 s15, s6;
	s15 =	smov.u32 s19;
	[sflag:s13] =	ssyncadd.s32 $0xFFFFC000  }
0x3b: {  	[hbm4b:s18+s2] =	stream.linear.scatter [tilespmem:s9], [sflag:$0x2], $0x10000, $0x38;
	[tilespmem:$0x11400] =	vst v63  }
0x3c: {  	_ =	swait.ge [sflag:s7], $0x10000  }
0x3d: {  	s16 =	sadd.s32 $0x200, s16;
	[sflag:s7] =	ssyncset.done $0x0  }
0x3e: {  	s17 =	sadd.s32 $0xFFFFFE80, s16;
	[sflag:s7] =	ssyncadd.s32 $0xFFFF0000  }
0x3f: {  	[tilespmem:s9], [sflag:$0x1] =	stream.indirect.gather [hbm4b:s3+s8], $0x80, s17, s8, $0xb8;
	[tilespmem:$0x11400] =	vst v63  }
0x40: {  	s30 =	sadd.s32 $0xFFFFFF00, s16  }
0x41: {  	[tilespmem:s10], [sflag:$0x1] =	stream.indirect.gather [hbm4b:s3+s8], $0x80, s30, s8, $0xb8;
	[tilespmem:$0x11400] =	vst v63  }
0x42: {  	s31 =	sadd.s32 $0xFFFFFF80, s16  }
0x43: {  	[tilespmem:s11], [sflag:$0x1] =	stream.indirect.gather [hbm4b:s3+s8], $0x80, s31, s8, $0xb8;
	[tilespmem:$0x11400] =	vst v63  }
0x44: {  	_ = 	snop  }
0x45: {  	[tilespmem:s12], [sflag:$0x1] =	stream.indirect.gather [hbm4b:s3+s8], $0x80, s16, s8, $0xb8;
	[tilespmem:$0x11400] =	vst v63  }
0x46: {  	_ =	swait.ge [sflag:s13], $0x4000  }
0x47: {  	[sflag:s13] =	ssyncset.done $0x0  }
0x48: {  	[sflag:s13] =	ssyncadd.s32 $0xFFFFC000  }
0x49: {  	_ =	swait.ge [sflag:s13], $0x4000  }
0x4a: {  	[sflag:s13] =	ssyncset.done $0x0  }
0x4b: {  	[sflag:s13] =	ssyncadd.s32 $0xFFFFC000  }
0x4c: {  	_ =	swait.ge [sflag:s13], $0x4000  }
0x4d: {  	[sflag:s13] =	ssyncset.done $0x0  }
0x4e: {  	[sflag:s13] =	ssyncadd.s32 $0xFFFFC000  }
0x4f: {  	s14 =	sadd.s32 $0x1, s14;
	_ =	swait.ge [sflag:s13], $0x4000  }
0x50: {  	p0 =	sne.s32 s14, s5;
	[sflag:s13] =	ssyncset.done $0x0  }
.Ltmp1:
0x51: {  	s15 =	sadd.s32 s15, s6;
	[sflag:s13] =	ssyncadd.s32 $0xFFFFC000;
	(pc) =	sbr.rel @p0 .LBB2_1-.Ltmp1, $4  }
0x52: {  	[hbm4b:s15+s2] =	stream.linear.scatter [tilespmem:s9], [sflag:$0x2], $0x10000, $0x38;
	[tilespmem:$0x11400] =	vst v63  }
0x53: {  	_ =	swait.ge [sflag:s7], $0x10000  }
0x54: {  	[sflag:s7] =	ssyncset.done $0x0  }
0x55: {  	[sflag:s7] =	ssyncadd.s32 $0xFFFF0000  }
0x56: {  	_ =	sfence.sel $0x180000  }
0x57: {  	[bflag:$0x0] =	sbarrier.arrive $0xFFFF  }
0x58: {  	p0 =	sne.s32 s1, $0x0;
	_ =	strace $0x90000047  }
0x59: {  	s0 =	sadd.s32 @!p0 $0x100000, s0;
	[bflag:$0x2] =	sbarrier.arrive $0xFFFF  }
0x5a: {  	[sflag:s0] =	ssyncadd.tile.s32 @!p0 $0x1;
	_ =	shalt  }
.Lfunc_end2:
_tile_overlayer_lowered:
.L_overlay_start_2:
0x5b: {  	(tag) =	ssettag $0x2  }
0x5c: {  	s0 =	rddreg [dreg:$0x0];
	s2 =	stileid.u32  }
0x5d: {  	s1 =	rddreg [dreg:$0x1];
	p0 =	sne.s32 s2, $0x0  }
0x5e: {  	s3 =	rddreg [dreg:$0x2];
	[bflag:$0x3] =	sbarrier.arrive $0xFFFF;
	s2 =	simm.s32 @!p0 $0x1C02  }
0x5f: {  	[timem:s3], [sflag:s2] =	dma.local @!p0 [hbm:s0], s1  }
0x60: {  	s0 =	simm.s32 @!p0 $0x2  }
0x61: {  	_ =	swait.ge @!p0 [sflag:s0], s1  }
0x62: {  	s1 =	ssub.s32 @!p0 $0x0, s1;
	[sflag:s0] =	ssyncset.done @!p0 $0x0  }
0x63: {  	[sflag:s0] =	ssyncadd.s32 @!p0 s1  }
0x64: {  	[bflag:$0x3] =	sbarrier.arrive $0xFFFF  }
0x65: {  	_ =	shalt  }

// kernel: kernel.15.cloned.1.call-start
scs
__scs_entry_jumppad:
0x0: {  	(pc) =	sbr.rel $0x88, $3  }
0x1: {  	(tag) =	ssettag $0x0;
	lr =	simm.s32 $0x1  }
0x2: {  	[smem:$0x3F91] =	sst lr;
	_ =	strace $0xD0000000  }
0x3: {  	_ = 	snop  }
0x4: {  	_ = 	snop  }
0x5: {  	_ = 	snop  }
0x6: {  	_ = 	snop  }
0x7: {  	_ = 	snop  }
__scs_overlays_trampoline_lowered:
0x8: {  	[smem:$0x3FA0] =	sst s0  }
0x9: {  	[smem:$0x3FA1] =	sst s1  }
0xa: {  	[smem:$0x3FA2] =	sst s2  }
0xb: {  	[smem:$0x3FA3] =	sst s3  }
0xc: {  	[smem:$0x3FA4] =	sst s4  }
0xd: {  	[smem:$0x3FA5] =	sst s5  }
0xe: {  	[smem:$0x3FA6] =	sst s6  }
0xf: {  	[smem:$0x3FA7] =	sst s7  }
0x10: {  	[smem:$0x3FA8] =	sst s8  }
0x11: {  	[smem:$0x3FA9] =	sst s9;
	s0 =	simm.s32 @!p0 $0x0  }
0x12: {  	s1 =	sld [smem:$0x3F8F];
	s0 =	simm.s32 @p0 $0x1  }
0x13: {  	[smem:$0x3FAA] =	sst s0;
	s0 =	simm.s32 @!p1 $0x0  }
0x14: {  	s2 =	sld [smem:$0x3F8E];
	s0 =	simm.s32 @p1 $0x1  }
0x15: {  	[smem:$0x3FAB] =	sst s0;
	s0 =	simm.s32 @!p2 $0x0  }
0x16: {  	s3 =	sld [smem:$0x3FDB];
	s0 =	simm.s32 @p2 $0x1  }
0x17: {  	s4 =	simm.s32 $0x1BF5;
	[smem:$0x3FAD] =	sst s0  }
0x18: {  	s0 =	sld [smem:$0x3F90];
	_ =	swait.ge [sflag:s4], $0x0  }
0x19: {  	s7 =	sld [smem:$0x3F91]  }
0x1a: {  	s8 =	sadd.s32 $0xFFFFE003, lr  }
0x1b: {  	s9 =	sadd.s32 $0xFFFFFEF7, lr;
	s5 =	simm.s32 $0xFFFFFFFF;
	p2 =	slt.u32 s8, $0xFFFFF086  }
0x1c: {  	p1 =	slt.u32 s9, $0xF7A;
	s5 =	simm.s32 @!p2 $0x0  }
0x1d: {  	s5 =	simm.s32 @p1 $0x1;
	p0 =	seq.s32 s7, s2  }
0x1e: {  	s7 =	smul.u32 @!p0 $0xF7A, s2;
	p2 =	seq.s32 @!p0 s5, $0x0  }
0x1f: {  	s9 =	smul.u32 $0xF7A, s1;
	s8 =	simm.s32 @!p0 $0x1BF5;
	p2 =	por !p2, p0  }
0x20: {  	[sflag:s8] =	ssyncset.s32 @!p0 $0xFFFFF086;
	s6 =	sadd.s32 @!p0 s3, s7;
	s7 =	simm.s32 @!p0 $0x108  }
0x21: {  	s3 =	sadd.s32 s3, s9;
	s6 =	sadd.s32 @!p0 $0x88, s6;
	s7 =	simm.s32 @p2 $0x1082  }
0x22: {  	[simem:s7], [sflag:s8] =	dma.local @!p0 [hbm:s6], $0xF7A  }
0x23: {  	s9 =	sor.u32 $0xD0000000, s2;
	s6 =	simm.s32 $0x108;
	_ =	swait.ge @!p0 [sflag:s8], $0x0  }
0x24: {  	s3 =	sadd.s32 $0x88, s3;
	s6 =	simm.s32 @!p1 $0x1082;
	[sflag:s4] =	ssyncset.s32 $0xFFFFF086  }
0x25: {  	[simem:s6], [sflag:s4] =	dma.local [hbm:s3], $0xF7A  }
0x26: {  	[smem:$0x3F91] =	sst s1;
	(tag) =	ssettag s2;
	_ =	strace s9  }
0x27: {  	s1 =	sld [smem:$0x3FA1]  }
0x28: {  	s2 =	sld [smem:$0x3FA2]  }
0x29: {  	s4 =	sld [smem:$0x3FA4]  }
0x2a: {  	p0 =	seq.s32 s5, $0x0;
	s5 =	sld [smem:$0x3FA5]  }
0x2b: {  	s6 =	sld [smem:$0x3FA6]  }
0x2c: {  	s7 =	sld [smem:$0x3FA7]  }
0x2d: {  	s3 =	simm.s32 $0x108;
	s8 =	sld [smem:$0x3FA8]  }
0x2e: {  	s3 =	simm.s32 @!p0 $0x1082;
	s9 =	sld [smem:$0x3FA9]  }
0x2f: {  	lr =	sadd.s32 s0, s3;
	s0 =	sld [smem:$0x3FA0]  }
0x30: {  	s3 =	sld [smem:$0x3FA3]  }
0x31: {  	[smem:$0x3FAC] =	sst s10  }
0x32: {  	s10 =	sld [smem:$0x3FAA];
	_ =	sdelay $0x3  }
0x33: {  	p0 =	seq.s32 s10, $0x1;
	s10 =	sld [smem:$0x3FAC];
	_ =	sdelay $0x3  }
0x34: {  	[smem:$0x3FAC] =	sst s10  }
0x35: {  	s10 =	sld [smem:$0x3FAB];
	_ =	sdelay $0x3  }
0x36: {  	p1 =	seq.s32 s10, $0x1;
	s10 =	sld [smem:$0x3FAC];
	_ =	sdelay $0x3  }
0x37: {  	[smem:$0x3FAC] =	sst s10  }
0x38: {  	s10 =	sld [smem:$0x3FAD]  }
0x39: {  	_ = 	snop;
	(pc) =	sbr.ind lr, $3  }
0x3a: {  	_ = 	snop  }
0x3b: {  	_ = 	snop  }
0x3c: {  	p2 =	seq.s32 s10, $0x1;
	s10 =	sld [smem:$0x3FAC]  }
0x3d: {  	_ =	shalt  }
0x3e: {  	_ =	shalt  }
0x3f: {  	_ =	shalt  }
0x40: {  	_ =	shalt  }
0x41: {  	_ =	shalt  }
0x42: {  	_ =	shalt  }
0x43: {  	_ =	shalt  }
0x44: {  	_ =	shalt  }
0x45: {  	_ =	shalt  }
0x46: {  	_ =	shalt  }
0x47: {  	_ =	shalt  }
0x48: {  	_ =	shalt  }
0x49: {  	_ =	shalt  }
0x4a: {  	_ =	shalt  }
0x4b: {  	_ =	shalt  }
0x4c: {  	_ =	shalt  }
0x4d: {  	_ =	shalt  }
0x4e: {  	_ =	shalt  }
0x4f: {  	_ =	shalt  }
0x50: {  	_ =	shalt  }
0x51: {  	_ =	shalt  }
0x52: {  	_ =	shalt  }
0x53: {  	_ =	shalt  }
0x54: {  	_ =	shalt  }
0x55: {  	_ =	shalt  }
0x56: {  	_ =	shalt  }
0x57: {  	_ =	shalt  }
0x58: {  	_ =	shalt  }
0x59: {  	_ =	shalt  }
0x5a: {  	_ =	shalt  }
0x5b: {  	_ =	shalt  }
0x5c: {  	_ =	shalt  }
0x5d: {  	_ =	shalt  }
0x5e: {  	_ =	shalt  }
0x5f: {  	_ =	shalt  }
0x60: {  	_ =	shalt  }
0x61: {  	_ =	shalt  }
0x62: {  	_ =	shalt  }
0x63: {  	_ =	shalt  }
0x64: {  	_ =	shalt  }
0x65: {  	_ =	shalt  }
0x66: {  	_ =	shalt  }
0x67: {  	_ =	shalt  }
0x68: {  	_ =	shalt  }
0x69: {  	_ =	shalt  }
0x6a: {  	_ =	shalt  }
0x6b: {  	_ =	shalt  }
0x6c: {  	_ =	shalt  }
0x6d: {  	_ =	shalt  }
0x6e: {  	_ =	shalt  }
0x6f: {  	_ =	shalt  }
0x70: {  	_ =	shalt  }
0x71: {  	_ =	shalt  }
0x72: {  	_ =	shalt  }
0x73: {  	_ =	shalt  }
0x74: {  	_ =	shalt  }
0x75: {  	_ =	shalt  }
0x76: {  	_ =	shalt  }
0x77: {  	_ =	shalt  }
0x78: {  	_ =	shalt  }
0x79: {  	_ =	shalt  }
0x7a: {  	_ =	shalt  }
0x7b: {  	_ =	shalt  }
0x7c: {  	_ =	shalt  }
0x7d: {  	_ =	shalt  }
0x7e: {  	_ =	shalt  }
0x7f: {  	_ =	shalt  }
0x80: {  	_ =	shalt  }
0x81: {  	_ =	shalt  }
0x82: {  	_ =	shalt  }
0x83: {  	_ =	shalt  }
0x84: {  	_ =	shalt  }
0x85: {  	_ =	shalt  }
0x86: {  	_ =	shalt  }
0x87: {  	_ =	shalt  }
.Lfunc_end0:
.L_simem_size_0:
called_computation.1_lowered:
.L_overlay_start_0:
0x88: {  	s2 =	sld [smem:$0x3FD9]  }
0x89: {  	s3 =	sld [smem:$0x3FFE];
	_ =	sdelay $0x1  }
0x8a: {  	s1 =	srdreg.scid  }
0x8b: {  	s0 =	sand.u32 $0x1, s1  }
0x8c: {  	s16 =	sshll.u32 s0, $0xA;
	s2 =	sadd.s32 s3, s2  }
0x8d: {  	s2 =	sadd.s32 s2, s16  }
0x8e: {  	[smem:$0x3FB8] =	sst s2  }
0x8f: {  	_ = 	snop  }
0x90: {  	(tm) =	ssettm $0x1  }
0x91: {  	s17 =	sld [smem:$0x3FFB];
	_ =	sdelay $0x3  }
0x92: {  	_ =	strace s17  }
0x93: {  	s2 =	sld [smem:$0x3FFC];
	_ =	sdelay $0x3  }
0x94: {  	_ =	strace s2  }
0x95: {  	s2 =	sld [smem:$0x3FFD];
	_ =	sdelay $0x3  }
0x96: {  	_ =	strace s2  }
0x97: {  	_ =	strace $0x8FFFFFFF  }
0x98: {  	s18 =	sld [smem:$0x3FDB];
	_ =	sdelay $0x1  }
0x99: {  	s19 =	simm.s32 $_scs_section_size  }
0x9a: {  	s4 =	simm.s32 $_size__tile_overlayer_lowered;
	s5 =	simm.s32 $_tile_overlayer_lowered  }
0x9b: {  	s22 =	simm.s32 $0x1BFF;
	s21 =	sshll.u32 s5, $0x1;
	s2 =	sadd.s32 s19, s18  }
0x9c: {  	s6 =	simm.s32 $0x0;
	s20 =	sshll.u32 s4, $0x1;
	s4 =	sadd.s32 s21, s2  }
0x9d: {  	[timem:s6], [sflag:s22] =	dma.local [hbm:s4], s20  }
0x9e: {  	_ =	swait.ge [sflag:s22], s20  }
0x9f: {  	s3 =	ssub.s32 $0x0, s20;
	[sflag:s22] =	ssyncset.done $0x0  }
0xa0: {  	[sflag:s22] =	ssyncadd.s32 s3;
	_ =	sdelay $0x1  }
0xa1: {  	s23 =	simm.s32 $0x1B8B  }
0xa2: {  	_ =	swait.ge [sflag:s23], $0x1  }
0xa3: {  	[sflag:s23] =	ssyncset.done $0x0  }
0xa4: {  	s25 =	simm.s32 $0x1B8E;
	s24 =	sld [smem:$0x3FFE];
	[sflag:s23] =	ssyncadd.s32 $0xFFFFFFFF  }
0xa5: {  	s26 =	simm.s32 $execute0_lowered;
	[smem:$0x3FD2] =	sst s25  }
0xa6: {  	s4 =	sshll.u32 s26, $0x1;
	_ =	strace $0x80000049;
	[dreg:$0x1] =	wrdreg $0xFFFFFFFF  }
0xa7: {  	s28 =	simm.s32 $_size_execute0_lowered;
	s2 =	sadd.s32 s2, s4;
	[dreg:$0x0] =	wrdreg $0x0  }
0xa8: {  	s4 =	sshll.u32 s28, $0x1;
	[dreg:$0x2] =	wrdreg s2  }
0xa9: {  	[dreg:$0x3] =	wrdreg s4  }
0xaa: {  	[dreg:$0x4] =	wrdreg $0xC0  }
0xab: {  	_ =	task [dreg:s6], $0x5FFFF  }
0xac: {  	[dreg:$0x1] =	wrdreg $0xFFFFFFFF  }
0xad: {  	[dreg:$0x0] =	wrdreg $0x60  }
0xae: {  	[dreg:$0x2] =	wrdreg s24  }
0xaf: {  	[dreg:$0x3] =	wrdreg $0x9  }
0xb0: {  	_ =	task.clear_ibuf [dreg:s6], $0x4FFFF;
	_ =	strace $0x90000049  }
0xb1: {  	s29 =	simm.s32 $0x9;
	_ =	strace $0x8000004B  }
0xb2: {  	_ =	swait.ge [sflag:s29], $0x1  }
0xb3: {  	[sflag:s29] =	ssyncadd.s32 $0xFFFFFFFF  }
0xb4: {  	_ =	strace $0x9000004B  }
0xb5: {  	_ =	sfence  }
0xb6: {  	s30 =	sld [smem:$0x0];
	_ =	sdelay $0x2  }
0xb7: {  	s31 =	sshll.u32 s1, $0xD;
	s1 =	sshrl.u32 s1, $0x2  }
0xb8: {  	s3 =	sand.u32 $0x4000, s31;
	s1 =	sadd.s32 s1, s30  }
0xb9: {  	s0 =	sor.u32 s3, s0;
	s1 =	sshll.u32 s1, $0x11  }
0xba: {  	s0 =	sor.u32 s1, s0  }
0xbb: {  	s0 =	sadd.s32 $0x8F2B, s0  }
0xbc: {  	[sflag:s0] =	ssyncadd.remote.s32 $0x1  }
0xbd: {  	_ =	sfence.sel $0xFFFF  }
0xbe: {  	[dreg:$0x0] =	wrdreg $0xFFFFFFFF;
	(pc) =	sbr.abs _section_cstart, $3  }
0xbf: {  	[dreg:$0x1] =	wrdreg $0xFFFFFFFF  }
0xc0: {  	_ =	task.clear_ibuf [dreg:s6], $0x2FFFF;
	_ =	strace $0x9FFFFFFF  }
0xc1: {  	(tm) =	ssettm $0x7FFFFFFF  }
tec
execute0_lowered:
.L_overlay_start_1:
0x0: {  	(tag) =	ssettag $0x1  }
0x1: {  	s4 =	rddreg [dreg:$0x0]  }
0x2: {  	s0 =	rddreg [dreg:$0x1]  }
0x3: {  	s2 =	simm.s32 $0x0;
	s3 =	srdreg.scid;
	s1 =	stileid.u32  }
0x4: {  	s9 =	simm.s32 $0x1400;
	s10 =	simm.s32 $0x5400;
	s11 =	simm.s32 $0x9400  }
0x5: {  	s12 =	simm.s32 $0xD400;
	s13 =	simm.s32 $0x1;
	s14 =	simm.s32 $0x0  }
0x6: {  	s3 =	sand.u32 $0x1, s3;
	s5 =	sshll.u32 s1, $0x1;
	s6 =	smul.u32 $0x140000, s1  }
0x7: {  	[smem:$0x7FF] =	sst s2;
	s5 =	sor.u32 s3, s5;
	s7 =	smul.u32 $0xA0000, s3  }
0x8: {  	_ =	strace $0x8000004A;
	s8 =	ssub.s32 $0x2, s3;
	s5 =	smul.u32 $0x280, s5  }
0x9: {  	s3 =	sadd.s32 $0x8200, s4;
	s31 =	sshrl.u32 s8, $0x1;
	s6 =	sadd.s32 s7, s6  }
0xa: {  	s7 =	ssub.s32 s8, s31;
	s5 =	sadd.s32 s5, s4;
	s6 =	sshrl.u32 s6, $0x3  }
0xb: {  	s8 =	simm.s32 $0x80;
	s6 =	sadd.s32 s6, s4;
	s4 =	sadd.s32 $0x3200, s5  }
0xc: {  	s5 =	smax.u32 s7, $0x1;
	s7 =	simm.s32 $0x2;
	s6 =	sadd.s32 $0x28200, s6  }
.LBB2_1:
0xd: {  	[tilespmem:s2], [sflag:$0x2] =	stream.linear.gather [hbm4b:s4+s2], $0x1400, $0x38;
	[tilespmem:$0x11400] =	vst v63  }
0xe: {  	_ =	swait.ge [sflag:s7], $0x1400  }
0xf: {  	[sflag:s7] =	ssyncset.done $0x0  }
0x10: {  	s15 =	simm.s32 $0x0;
	[sflag:s7] =	ssyncadd.s32 $0xFFFFEC00  }
0x11: {  	[tilespmem:s9], [sflag:$0x1] =	stream.indirect.gather [hbm4b:s3+s8], $0x80, s15, s8, $0xb8;
	[tilespmem:$0x11400] =	vst v63  }
0x12: {  	s28 =	simm.s32 $0x80  }
0x13: {  	[tilespmem:s10], [sflag:$0x1] =	stream.indirect.gather [hbm4b:s3+s8], $0x80, s28, s8, $0xb8;
	[tilespmem:$0x11400] =	vst v63  }
0x14: {  	s29 =	simm.s32 $0x100  }
0x15: {  	[tilespmem:s11], [sflag:$0x1] =	stream.indirect.gather [hbm4b:s3+s8], $0x80, s29, s8, $0xb8;
	[tilespmem:$0x11400] =	vst v63  }
0x16: {  	s30 =	simm.s32 $0x180  }
0x17: {  	[tilespmem:s12], [sflag:$0x1] =	stream.indirect.gather [hbm4b:s3+s8], $0x80, s30, s8, $0xb8;
	[tilespmem:$0x11400] =	vst v63  }
0x18: {  	_ =	swait.ge [sflag:s13], $0x4000  }
0x19: {  	[sflag:s13] =	ssyncset.done $0x0  }
0x1a: {  	[sflag:s13] =	ssyncadd.s32 $0xFFFFC000  }
0x1b: {  	_ =	swait.ge [sflag:s13], $0x4000  }
0x1c: {  	[sflag:s13] =	ssyncset.done $0x0  }
0x1d: {  	[sflag:s13] =	ssyncadd.s32 $0xFFFFC000  }
0x1e: {  	_ =	swait.ge [sflag:s13], $0x4000  }
0x1f: {  	[sflag:s13] =	ssyncset.done $0x0  }
0x20: {  	[sflag:s13] =	ssyncadd.s32 $0xFFFFC000  }
0x21: {  	_ =	swait.ge [sflag:s13], $0x4000  }
0x22: {  	[sflag:s13] =	ssyncset.done $0x0  }
0x23: {  	s31 =	sadd.s32 $0x0, s6;
	[sflag:s13] =	ssyncadd.s32 $0xFFFFC000  }
0x24: {  	[hbm4b:s31+s2] =	stream.linear.scatter [tilespmem:s9], [sflag:$0x2], $0x10000, $0x38;
	[tilespmem:$0x11400] =	vst v63  }
0x25: {  	s17 =	simm.s32 $0x4000;
	_ =	swait.ge [sflag:s7], $0x10000  }
0x26: {  	s16 =	simm.s32 $0x380;
	s15 =	simm.s32 $0x2000;
	[sflag:s7] =	ssyncset.done $0x0  }
.LBB2_2:
0x27: {  	p0 =	sne.s32 s17, $0x12000;
	s18 =	sadd.s32 $0xFFFFFE80, s16;
	[sflag:s7] =	ssyncadd.s32 $0xFFFF0000  }
0x28: {  	[tilespmem:s9], [sflag:$0x1] =	stream.indirect.gather [hbm4b:s3+s8], $0x80, s18, s8, $0xb8;
	[tilespmem:$0x11400] =	vst v63  }
0x29: {  	s19 =	smov.u32 s17;
	s17 =	sadd.s32 $0x2000, s17;
	s18 =	sadd.s32 $0xFFFFFF00, s16  }
0x2a: {  	[tilespmem:s10], [sflag:$0x1] =	stream.indirect.gather [hbm4b:s3+s8], $0x80, s18, s8, $0xb8;
	[tilespmem:$0x11400] =	vst v63  }
0x2b: {  	s18 =	sadd.s32 $0xFFFFFF80, s16  }
0x2c: {  	[tilespmem:s11], [sflag:$0x1] =	stream.indirect.gather [hbm4b:s3+s8], $0x80, s18, s8, $0xb8;
	[tilespmem:$0x11400] =	vst v63  }
0x2d: {  	_ = 	snop  }
0x2e: {  	[tilespmem:s12], [sflag:$0x1] =	stream.indirect.gather [hbm4b:s3+s8], $0x80, s16, s8, $0xb8;
	[tilespmem:$0x11400] =	vst v63  }
0x2f: {  	_ =	swait.ge [sflag:s13], $0x4000  }
0x30: {  	[sflag:s13] =	ssyncset.done $0x0  }
0x31: {  	[sflag:s13] =	ssyncadd.s32 $0xFFFFC000  }
0x32: {  	_ =	swait.ge [sflag:s13], $0x4000  }
0x33: {  	[sflag:s13] =	ssyncset.done $0x0  }
0x34: {  	[sflag:s13] =	ssyncadd.s32 $0xFFFFC000  }
0x35: {  	_ =	swait.ge [sflag:s13], $0x4000  }
0x36: {  	[sflag:s13] =	ssyncset.done $0x0  }
0x37: {  	[sflag:s13] =	ssyncadd.s32 $0xFFFFC000  }
0x38: {  	_ =	swait.ge [sflag:s13], $0x4000  }
.Ltmp0:
0x39: {  	[sflag:s13] =	ssyncset.done $0x0;
	(pc) =	sbr.rel @p0 .LBB2_2-.Ltmp0, $4  }
0x3a: {  	s18 =	sadd.s32 s15, s6;
	s15 =	smov.u32 s19;
	[sflag:s13] =	ssyncadd.s32 $0xFFFFC000  }
0x3b: {  	[hbm4b:s18+s2] =	stream.linear.scatter [tilespmem:s9], [sflag:$0x2], $0x10000, $0x38;
	[tilespmem:$0x11400] =	vst v63  }
0x3c: {  	_ =	swait.ge [sflag:s7], $0x10000  }
0x3d: {  	s16 =	sadd.s32 $0x200, s16;
	[sflag:s7] =	ssyncset.done $0x0  }
0x3e: {  	s17 =	sadd.s32 $0xFFFFFE80, s16;
	[sflag:s7] =	ssyncadd.s32 $0xFFFF0000  }
0x3f: {  	[tilespmem:s9], [sflag:$0x1] =	stream.indirect.gather [hbm4b:s3+s8], $0x80, s17, s8, $0xb8;
	[tilespmem:$0x11400] =	vst v63  }
0x40: {  	s30 =	sadd.s32 $0xFFFFFF00, s16  }
0x41: {  	[tilespmem:s10], [sflag:$0x1] =	stream.indirect.gather [hbm4b:s3+s8], $0x80, s30, s8, $0xb8;
	[tilespmem:$0x11400] =	vst v63  }
0x42: {  	s31 =	sadd.s32 $0xFFFFFF80, s16  }
0x43: {  	[tilespmem:s11], [sflag:$0x1] =	stream.indirect.gather [hbm4b:s3+s8], $0x80, s31, s8, $0xb8;
	[tilespmem:$0x11400] =	vst v63  }
0x44: {  	_ = 	snop  }
0x45: {  	[tilespmem:s12], [sflag:$0x1] =	stream.indirect.gather [hbm4b:s3+s8], $0x80, s16, s8, $0xb8;
	[tilespmem:$0x11400] =	vst v63  }
0x46: {  	_ =	swait.ge [sflag:s13], $0x4000  }
0x47: {  	[sflag:s13] =	ssyncset.done $0x0  }
0x48: {  	[sflag:s13] =	ssyncadd.s32 $0xFFFFC000  }
0x49: {  	_ =	swait.ge [sflag:s13], $0x4000  }
0x4a: {  	[sflag:s13] =	ssyncset.done $0x0  }
0x4b: {  	[sflag:s13] =	ssyncadd.s32 $0xFFFFC000  }
0x4c: {  	_ =	swait.ge [sflag:s13], $0x4000  }
0x4d: {  	[sflag:s13] =	ssyncset.done $0x0  }
0x4e: {  	[sflag:s13] =	ssyncadd.s32 $0xFFFFC000  }
0x4f: {  	s14 =	sadd.s32 $0x1, s14;
	_ =	swait.ge [sflag:s13], $0x4000  }
0x50: {  	p0 =	sne.s32 s14, s5;
	[sflag:s13] =	ssyncset.done $0x0  }
.Ltmp1:
0x51: {  	s15 =	sadd.s32 s15, s6;
	[sflag:s13] =	ssyncadd.s32 $0xFFFFC000;
	(pc) =	sbr.rel @p0 .LBB2_1-.Ltmp1, $4  }
0x52: {  	[hbm4b:s15+s2] =	stream.linear.scatter [tilespmem:s9], [sflag:$0x2], $0x10000, $0x38;
	[tilespmem:$0x11400] =	vst v63  }
0x53: {  	_ =	swait.ge [sflag:s7], $0x10000  }
0x54: {  	[sflag:s7] =	ssyncset.done $0x0  }
0x55: {  	[sflag:s7] =	ssyncadd.s32 $0xFFFF0000  }
0x56: {  	_ =	sfence.sel $0x180000  }
0x57: {  	[bflag:$0x0] =	sbarrier.arrive $0xFFFF  }
0x58: {  	p0 =	sne.s32 s1, $0x0;
	_ =	strace $0x9000004A  }
0x59: {  	s0 =	sadd.s32 @!p0 $0x100000, s0;
	[bflag:$0x2] =	sbarrier.arrive $0xFFFF  }
0x5a: {  	[sflag:s0] =	ssyncadd.tile.s32 @!p0 $0x1;
	_ =	shalt  }
.Lfunc_end2:
_tile_overlayer_lowered:
.L_overlay_start_2:
0x5b: {  	(tag) =	ssettag $0x2  }
0x5c: {  	s0 =	rddreg [dreg:$0x0];
	s2 =	stileid.u32  }
0x5d: {  	s1 =	rddreg [dreg:$0x1];
	p0 =	sne.s32 s2, $0x0  }
0x5e: {  	s3 =	rddreg [dreg:$0x2];
	[bflag:$0x3] =	sbarrier.arrive $0xFFFF;
	s2 =	simm.s32 @!p0 $0x1C02  }
0x5f: {  	[timem:s3], [sflag:s2] =	dma.local @!p0 [hbm:s0], s1  }
0x60: {  	s0 =	simm.s32 @!p0 $0x2  }
0x61: {  	_ =	swait.ge @!p0 [sflag:s0], s1  }
0x62: {  	s1 =	ssub.s32 @!p0 $0x0, s1;
	[sflag:s0] =	ssyncset.done @!p0 $0x0  }
0x63: {  	[sflag:s0] =	ssyncadd.s32 @!p0 s1  }
0x64: {  	[bflag:$0x3] =	sbarrier.arrive $0xFFFF  }
0x65: {  	_ =	shalt  }

</sc_bundles>
